<compile_context>
chip_gen: v7x
topology: tpu7x:2x2x1
jax: 0.10.2.dev20260603
libtpu: 0.0.44.dev20260713+nightly
codegen_flags: <defaults>
</compile_context>

<pallas_src>
import functools

import jax
import jax.numpy as jnp
from jax import lax
from jax.experimental import pallas as pl
from jax.experimental.pallas import tpu as pltpu
from jax.experimental.pallas import tpu_sc as plsc

N = 10000
E = 320000
NC = 2
NS = 16
NW = NC * NS
N_PAD = 10240
BATCH = 128
CHUNK = BATCH
NCH = 80
E_PER_TILE = NCH * CHUNK
E_PAD = NW * E_PER_TILE
IDX_ROWS = E_PAD // BATCH
JROWS = NCH
KB = 2
DEG_NCH = IDX_ROWS // NW // KB
ROWS_PER_TILE = N_PAD // NS
DW = 16

_sc_mesh = plsc.VectorSubcoreMesh(core_axis_name="c", subcore_axis_name="s")
_sc_params = pltpu.CompilerParams(use_tc_tiling_on_sc=False)
_sc_params_nl = pltpu.CompilerParams(use_tc_tiling_on_sc=False,
                                     needs_layout_passes=False)



@functools.partial(
    pl.kernel,
    out_type=jax.ShapeDtypeStruct((NW, N_PAD), jnp.float32),
    mesh=_sc_mesh,
    compiler_params=_sc_params_nl,
    scratch_types=[
        pltpu.VMEM((DEG_NCH * KB, BATCH), jnp.int32),
        pltpu.VMEM((N_PAD,), jnp.float32),
    ],
)
def _sc_degree(colidx_hbm, out_hbm, colv, deg):
    c = lax.axis_index("c")
    s = lax.axis_index("s")
    w = c * NS + s
    pltpu.sync_copy(colidx_hbm.at[pl.ds(w * DEG_NCH * KB, DEG_NCH * KB)], colv)
    ones16 = jnp.ones((16,), jnp.float32)

    def zbody(i, carry):
        deg[pl.ds(i * 16, 16)] = jnp.zeros((16,), jnp.float32)
        return carry

    lax.fori_loop(0, N_PAD // 16, zbody, 0)

    def body(i, carry):
        for l in range(BATCH // 16):
            idx = colv[i, pl.ds(l * 16, 16)]
            plsc.addupdate_scatter(deg, [idx], ones16)
        return carry

    lax.fori_loop(0, DEG_NCH * KB, body, 0)
    pltpu.sync_copy(deg, out_hbm.at[w])


@functools.partial(
    pl.kernel,
    out_type=jax.ShapeDtypeStruct((NC, N, 64), jnp.float32),
    mesh=_sc_mesh,
    compiler_params=_sc_params,
    scratch_types=[
        pltpu.VMEM((JROWS, BATCH), jnp.int32),
        pltpu.VMEM((JROWS, BATCH), jnp.int32),
        pltpu.VMEM((CHUNK, 64), jnp.float32),
        pltpu.VMEM((CHUNK, 64), jnp.float32),
        pltpu.VMEM_SHARED((N_PAD, 64), jnp.float32),
        pltpu.VMEM_SHARED((N, 64), jnp.float32),
        pltpu.SemaphoreType.DMA,
        pltpu.SemaphoreType.DMA,
        pltpu.SemaphoreType.DMA,
        pltpu.SemaphoreType.DMA,
    ],
)
def _sc_edge_scatter(g_hbm, pkidx_hbm, zeros_hbm, out_hbm,
                     rowv, colv, buf0, buf1, acc_sh, g_sh, sg0, sg1, ss0, ss1):
    c = lax.axis_index("c")
    s = lax.axis_index("s")
    w = c * NS + s
    pltpu.sync_copy(pkidx_hbm.at[pl.ds(w * JROWS, JROWS)], rowv)
    pltpu.sync_copy(
        zeros_hbm,
        acc_sh.at[pl.ds(s * ROWS_PER_TILE, ROWS_PER_TILE)],
    )
    pltpu.sync_copy(
        g_hbm.at[pl.ds(s * (N // NS), N // NS)],
        g_sh.at[pl.ds(s * (N // NS), N // NS)],
    )

    def ubody(i, carry):
        rrow = rowv.at[i]
        rcol = colv.at[i]
        for l in range(BATCH // 16):
            v = rrow[pl.ds(l * 16, 16)]
            rcol[pl.ds(l * 16, 16)] = lax.shift_right_logical(v, 14)
            rrow[pl.ds(l * 16, 16)] = lax.bitwise_and(v, 16383)
        return carry

    lax.fori_loop(0, JROWS, ubody, 0)
    plsc.subcore_barrier()

    def fire_gather(chunk, buf, sem):
        pltpu.async_copy(g_sh.at[rowv.at[chunk]], buf, sem)

    def fire_scatter(chunk, buf, sem):
        pltpu.async_copy(buf, acc_sh.at[colv.at[chunk]], sem, add=True)

    def wait_chunk(buf, sem):
        pltpu.make_async_copy(zeros_hbm.at[pl.ds(0, CHUNK)], buf, sem).wait()

    fire_gather(0, buf0, sg0)
    fire_gather(1, buf1, sg1)

    def body(k, carry):
        c0 = 2 * k
        wait_chunk(buf0, sg0)
        fire_scatter(c0, buf0, ss0)
        wait_chunk(buf1, sg1)
        fire_scatter(c0 + 1, buf1, ss1)
        wait_chunk(buf0, ss0)
        fire_gather(c0 + 2, buf0, sg0)
        wait_chunk(buf1, ss1)
        fire_gather(c0 + 3, buf1, sg1)
        return carry

    lax.fori_loop(0, NCH // 2 - 1, body, 0)
    wait_chunk(buf0, sg0)
    fire_scatter(NCH - 2, buf0, ss0)
    wait_chunk(buf1, sg1)
    fire_scatter(NCH - 1, buf1, ss1)
    wait_chunk(buf0, ss0)
    wait_chunk(buf1, ss1)
    plsc.subcore_barrier()
    pltpu.sync_copy(
        acc_sh.at[pl.ds(s * (N // NS), N // NS)],
        out_hbm.at[c, pl.ds(s * (N // NS), N // NS)],
    )



def _tc_mm_body(x_ref, w_ref, o_ref):
    o_ref[...] = jnp.dot(x_ref[...], w_ref[...],
                         preferred_element_type=jnp.float32)


def _tc_mm(x, w):
    return pl.pallas_call(
        _tc_mm_body,
        out_shape=jax.ShapeDtypeStruct((x.shape[0], w.shape[1]), jnp.float32),
    )(x, w)


def _tc_norm_body(degp_ref, h_ref, g_ref, dinv_ref):
    deg = jnp.sum(degp_ref[...], axis=1, keepdims=True) + 1.0
    dinv = lax.rsqrt(deg)[:N]
    dinv_ref[...] = dinv
    g_ref[...] = h_ref[...] * dinv


def _tc_norm(degp, h):
    return pl.pallas_call(
        _tc_norm_body,
        out_shape=(
            jax.ShapeDtypeStruct((N, 64), jnp.float32),
            jax.ShapeDtypeStruct((N, 1), jnp.float32),
        ),
    )(degp, h)


def _tc_mid_body(sp_ref, g1_ref, dinv_ref, b1_ref, w2_ref, g2_ref):
    s = sp_ref[0, :N] + sp_ref[1, :N]
    dinv = dinv_ref[...]
    z = dinv * (s + g1_ref[...]) + b1_ref[...]
    z = jnp.maximum(z, 0.0)
    h2 = jnp.dot(z, w2_ref[...], preferred_element_type=jnp.float32)
    g2_ref[...] = h2 * dinv


def _tc_mid(sp, g1, dinv, b1, w2):
    return pl.pallas_call(
        _tc_mid_body,
        out_shape=jax.ShapeDtypeStruct((N, 64), jnp.float32),
    )(sp, g1, dinv, b1, w2)


def _tc_final_body(sp_ref, g2_ref, dinv_ref, b2_ref, o_ref):
    s = sp_ref[0, :N] + sp_ref[1, :N]
    o_ref[...] = dinv_ref[...] * (s + g2_ref[...]) + b2_ref[...]


def _tc_final(sp, g2, dinv, b2):
    return pl.pallas_call(
        _tc_final_body,
        out_shape=jax.ShapeDtypeStruct((N, 64), jnp.float32),
    )(sp, g2, dinv, b2)



def kernel(data, edge_idx, W1, b1, W2, b2):
    row = edge_idx[0].astype(jnp.int32)
    col = edge_idx[1].astype(jnp.int32)
    pad = E_PAD - E
    row_p = jnp.concatenate([row, jnp.zeros((pad,), jnp.int32)])
    col_p = jnp.concatenate(
        [col, N + (jnp.arange(pad, dtype=jnp.int32) % (N_PAD - N))])
    colidx = col_p.reshape(IDX_ROWS, BATCH)
    pkidx = (row_p | (col_p << 14)).reshape(IDX_ROWS, BATCH)

    zeros_acc = jnp.zeros((ROWS_PER_TILE, 64), jnp.float32)

    degp = _sc_degree(colidx)
    h1 = _tc_mm(data, W1)
    g1, dinv = _tc_norm(degp.T, h1)
    s1p = _sc_edge_scatter(g1, pkidx, zeros_acc)
    g2 = _tc_mid(s1p, g1, dinv, b1.reshape(1, 64), W2)
    s2p = _sc_edge_scatter(g2, pkidx, zeros_acc)
    out = _tc_final(s2p, g2, dinv, b2.reshape(1, 64))
    return out

# --- scband reference (transcript-rebuilt; emitter-appended) ---
"""Pipeline reference for scband-gcn-41360535061036 (READ-ONLY COPY).

The authoritative reference and input builder live on the scoring server;
editing this copy changes nothing except your own understanding.
"""

import jax, jax.numpy as jnp
import numpy as np

N_NODES = 10000
N_EDGES = 320000
D_FEAT = 128
D_HID = 64
N_CLASSES = 64


def setup_inputs(seed: int = 0) -> dict:
    key = jax.random.key(seed)
    k1, k2, k3, k4, k5, k6 = jax.random.split(key, 6)
    data = jax.random.normal(k1, (N_NODES, D_FEAT), dtype=jnp.float32)
    edge_idx = jax.random.randint(k2, (2, N_EDGES), 0, N_NODES, dtype=jnp.int64)
    # GCNConv parameters (glorot-ish init)
    W1 = jax.random.normal(k3, (D_FEAT, D_HID), dtype=jnp.float32) * (1.0 / np.sqrt(D_FEAT))
    b1 = jnp.zeros((D_HID,), dtype=jnp.float32)
    W2 = jax.random.normal(k4, (D_HID, N_CLASSES), dtype=jnp.float32) * (1.0 / np.sqrt(D_HID))
    b2 = jnp.zeros((N_CLASSES,), dtype=jnp.float32)
    return {"data": data, "edge_idx": edge_idx, "W1": W1, "b1": b1, "W2": W2, "b2": b2}


def _gcn_norm(edge_idx, n):
    # add self loops (fill_value=1.0), symmetric normalization D^-1/2 A D^-1/2
    loop = jnp.arange(n, dtype=edge_idx.dtype)
    row = jnp.concatenate([edge_idx[0], loop])
    col = jnp.concatenate([edge_idx[1], loop])
    ew = jnp.ones(row.shape[0], dtype=jnp.float32)
    deg = jax.ops.segment_sum(ew, col, num_segments=n)
    deg_inv_sqrt = jnp.where(deg > 0, 1.0 / jnp.sqrt(deg), 0.0)
    norm = deg_inv_sqrt[row] * ew * deg_inv_sqrt[col]
    return row, col, norm


def _gcn_conv(x, row, col, norm, W, b, n):
    h = x @ W
    msg = norm[:, None] * jnp.take(h, row, axis=0)
    out = jax.ops.segment_sum(msg, col, num_segments=n)
    return out + b


def reference(data, edge_idx, W1, b1, W2, b2):
    n = data.shape[0]
    # adjacency normalized once and cached (do_normalize_adj_once=True)
    row, col, norm = _gcn_norm(edge_idx, n)
    h = _gcn_conv(data, row, col, norm, W1, b1, n)
    h = jax.nn.relu(h)  # activation; dropout is identity in eval mode
    out = _gcn_conv(h, row, col, norm, W2, b2, n)
    return out

if __name__ == "__main__":
    import jax
    _d = setup_inputs()
    print(jax.jit(kernel)(*tuple(_d.values())))

</pallas_src>

<mosaic_0001>
#map = affine_map<(d0, d1) -> (0, 0)>
#map1 = affine_map<(d0, d1) -> (0, 0, 0)>
module attributes {stable_mosaic.version = 14 : i64} {
  func.func @_sc_edge_scatter(%arg0: i32, %arg1: i32, %arg2: memref<10000x64xf32, #tpu.memory_space<hbm>>, %arg3: memref<2560x128xi32, #tpu.memory_space<hbm>>, %arg4: memref<640x64xf32, #tpu.memory_space<hbm>>, %arg5: memref<2x10000x64xf32, #tpu.memory_space<hbm>>, %arg6: memref<80x128xi32, #tpu.memory_space<vmem>>, %arg7: memref<80x128xi32, #tpu.memory_space<vmem>>, %arg8: memref<128x64xf32, #tpu.memory_space<vmem>>, %arg9: memref<128x64xf32, #tpu.memory_space<vmem>>, %arg10: memref<10240x64xf32, #tpu.memory_space<vmem_shared>>, %arg11: memref<10000x64xf32, #tpu.memory_space<vmem_shared>>, %arg12: memref<!tpu.dma_semaphore, #tpu.memory_space<semaphore_mem>>, %arg13: memref<!tpu.dma_semaphore, #tpu.memory_space<semaphore_mem>>, %arg14: memref<!tpu.dma_semaphore, #tpu.memory_space<semaphore_mem>>, %arg15: memref<!tpu.dma_semaphore, #tpu.memory_space<semaphore_mem>>) attributes {dimension_semantics = [#tpu.dimension_semantics<core_parallel>, #tpu.dimension_semantics<subcore_parallel>], iteration_bounds = array<i64: 2, 16>, scalar_prefetch = 0 : i64, scratch_operands = 10 : i64, tpu.core_type = #tpu.core_type<sc_vector_subcore>, window_params = [{transform_indices = #map}, {transform_indices = #map}, {transform_indices = #map}, {transform_indices = #map1}]} {
    %mul3A = arith.constant 16 : i32
    %mul3A_0 = arith.muli %arg0, %mul3A : i32
    %add3A = arith.addi %mul3A_0, %arg1 : i32
    %mul3A_1 = arith.constant 80 : i32
    %mul3A_2 = arith.muli %add3A, %mul3A_1 : i32
    "tpu.region"() ({
      %run_scoped3A = tpu.sem_alloc : memref<!tpu.dma_semaphore, #tpu.memory_space<semaphore_mem>>
      %dma_start3A_75 = arith.constant 0 : i32
      %dma_start3A_76 = tpu.memref_slice %arg3[%mul3A_2, %dma_start3A_75] : memref<2560x128xi32, #tpu.memory_space<hbm>> -> memref<80x128xi32, #tpu.memory_space<hbm>>
      %dma_start3A_77 = arith.constant 0 : i32
      %dma_start3A_78 = tpu.memref_slice %arg3[%mul3A_2, %dma_start3A_77] : memref<2560x128xi32, #tpu.memory_space<hbm>> -> memref<80x128xi32, #tpu.memory_space<hbm>>
      tpu.enqueue_dma source(%dma_start3A_78 : memref<80x128xi32, #tpu.memory_space<hbm>>) target(%arg6 : memref<80x128xi32, #tpu.memory_space<vmem>>) target_semaphore(%run_scoped3A : memref<!tpu.dma_semaphore, #tpu.memory_space<semaphore_mem>>)
      %dma_wait3A_79 = arith.constant 0 : i32
      %dma_wait3A_80 = tpu.memref_slice %arg3[%mul3A_2, %dma_wait3A_79] : memref<2560x128xi32, #tpu.memory_space<hbm>> -> memref<80x128xi32, #tpu.memory_space<hbm>>
      %dma_wait3A_81 = arith.constant 0 : i32
      %dma_wait3A_82 = tpu.memref_slice %arg3[%mul3A_2, %dma_wait3A_81] : memref<2560x128xi32, #tpu.memory_space<hbm>> -> memref<80x128xi32, #tpu.memory_space<hbm>>
      tpu.wait_dma2 semaphore(%run_scoped3A : memref<!tpu.dma_semaphore, #tpu.memory_space<semaphore_mem>>) src(%dma_wait3A_82 : memref<80x128xi32, #tpu.memory_space<hbm>>) dst(%arg6 : memref<80x128xi32, #tpu.memory_space<vmem>>)
      tpu.yield
    }) : () -> ()
    %mul3A_3 = arith.constant 640 : i32
    %mul3A_4 = arith.muli %arg1, %mul3A_3 : i32
    "tpu.region"() ({
      %run_scoped3A = tpu.sem_alloc : memref<!tpu.dma_semaphore, #tpu.memory_space<semaphore_mem>>
      %dma_start3A_75 = arith.constant 0 : i32
      %dma_start3A_76 = tpu.memref_slice %arg10[%mul3A_4, %dma_start3A_75] : memref<10240x64xf32, #tpu.memory_space<vmem_shared>> -> memref<640x64xf32, #tpu.memory_space<vmem_shared>>
      tpu.enqueue_dma source(%arg4 : memref<640x64xf32, #tpu.memory_space<hbm>>) target(%dma_start3A_76 : memref<640x64xf32, #tpu.memory_space<vmem_shared>>) target_semaphore(%run_scoped3A : memref<!tpu.dma_semaphore, #tpu.memory_space<semaphore_mem>>)
      %dma_wait3A_77 = arith.constant 0 : i32
      %dma_wait3A_78 = tpu.memref_slice %arg10[%mul3A_4, %dma_wait3A_77] : memref<10240x64xf32, #tpu.memory_space<vmem_shared>> -> memref<640x64xf32, #tpu.memory_space<vmem_shared>>
      tpu.wait_dma2 semaphore(%run_scoped3A : memref<!tpu.dma_semaphore, #tpu.memory_space<semaphore_mem>>) src(%arg4 : memref<640x64xf32, #tpu.memory_space<hbm>>) dst(%dma_wait3A_78 : memref<640x64xf32, #tpu.memory_space<vmem_shared>>)
      tpu.yield
    }) : () -> ()
    %mul3A_5 = arith.constant 625 : i32
    %mul3A_6 = arith.muli %arg1, %mul3A_5 : i32
    %mul3A_7 = arith.constant 625 : i32
    %mul3A_8 = arith.muli %arg1, %mul3A_7 : i32
    "tpu.region"() ({
      %run_scoped3A = tpu.sem_alloc : memref<!tpu.dma_semaphore, #tpu.memory_space<semaphore_mem>>
      %dma_start3A_75 = arith.constant 0 : i32
      %dma_start3A_76 = tpu.memref_slice %arg11[%mul3A_8, %dma_start3A_75] : memref<10000x64xf32, #tpu.memory_space<vmem_shared>> -> memref<625x64xf32, #tpu.memory_space<vmem_shared>>
      %dma_start3A_77 = arith.constant 0 : i32
      %dma_start3A_78 = tpu.memref_slice %arg2[%mul3A_6, %dma_start3A_77] : memref<10000x64xf32, #tpu.memory_space<hbm>> -> memref<625x64xf32, #tpu.memory_space<hbm>>
      tpu.enqueue_dma source(%dma_start3A_78 : memref<625x64xf32, #tpu.memory_space<hbm>>) target(%dma_start3A_76 : memref<625x64xf32, #tpu.memory_space<vmem_shared>>) target_semaphore(%run_scoped3A : memref<!tpu.dma_semaphore, #tpu.memory_space<semaphore_mem>>)
      %dma_wait3A_79 = arith.constant 0 : i32
      %dma_wait3A_80 = tpu.memref_slice %arg11[%mul3A_8, %dma_wait3A_79] : memref<10000x64xf32, #tpu.memory_space<vmem_shared>> -> memref<625x64xf32, #tpu.memory_space<vmem_shared>>
      %dma_wait3A_81 = arith.constant 0 : i32
      %dma_wait3A_82 = tpu.memref_slice %arg2[%mul3A_6, %dma_wait3A_81] : memref<10000x64xf32, #tpu.memory_space<hbm>> -> memref<625x64xf32, #tpu.memory_space<hbm>>
      tpu.wait_dma2 semaphore(%run_scoped3A : memref<!tpu.dma_semaphore, #tpu.memory_space<semaphore_mem>>) src(%dma_wait3A_82 : memref<625x64xf32, #tpu.memory_space<hbm>>) dst(%dma_wait3A_80 : memref<625x64xf32, #tpu.memory_space<vmem_shared>>)
      tpu.yield
    }) : () -> ()
    %scan3A = arith.constant 0 : i32
    %scan3A_9 = arith.constant 0 : i32
    %scan3A_10 = arith.constant 80 : i32
    %scan3A_11 = arith.addi %scan3A_9, %scan3A_10 : i32
    %scan3A_12 = arith.constant 1 : i32
    scf.for %scan3A_75 = %scan3A_9 to %scan3A_11 step %scan3A_12  : i32 {
      %get3A = arith.constant 0 : i32
      %get3A_76 = tpu.memref_slice %arg6[%scan3A_75, %get3A] : memref<80x128xi32, #tpu.memory_space<vmem>> -> memref<1x128xi32, #tpu.memory_space<vmem>>
      %get3A_77 = tpu.memref_squeeze %get3A_76 : memref<1x128xi32, #tpu.memory_space<vmem>> -> memref<128xi32, #tpu.memory_space<vmem>>
      %get3A_78 = arith.constant 0 : index
      %get3A_79 = tpu.vector_load %get3A_77[%get3A_78] {strides = array<i32>} : memref<128xi32, #tpu.memory_space<vmem>>, vector<16xi32>,
      %get3A_80 = vector.shape_cast %get3A_79 : vector<16xi32> to vector<16xi32>
      %shift_right_logical3A = arith.constant 14 : i32
      %shift_right_logical3A_81 = vector.broadcast %shift_right_logical3A : i32 to vector<16xi32>
      %shift_right_logical3A_82 = arith.shrui %get3A_80, %shift_right_logical3A_81 : vector<16xi32>
      %swap3A = arith.constant 0 : i32
      %swap3A_83 = tpu.memref_slice %arg7[%scan3A_75, %swap3A] : memref<80x128xi32, #tpu.memory_space<vmem>> -> memref<1x128xi32, #tpu.memory_space<vmem>>
      %swap3A_84 = tpu.memref_squeeze %swap3A_83 : memref<1x128xi32, #tpu.memory_space<vmem>> -> memref<128xi32, #tpu.memory_space<vmem>>
      %swap3A_85 = arith.constant 0 : index
      %swap3A_86 = tpu.vector_load %swap3A_84[%swap3A_85] {strides = array<i32>} : memref<128xi32, #tpu.memory_space<vmem>>, vector<16xi32>,
      %swap3A_87 = vector.shape_cast %swap3A_86 : vector<16xi32> to vector<16xi32>
      %swap3A_88 = vector.shape_cast %shift_right_logical3A_82 : vector<16xi32> to vector<16xi32>
      tpu.vector_store %swap3A_84[%swap3A_85], %swap3A_88 {strides = array<i32>} : memref<128xi32, #tpu.memory_space<vmem>>, vector<16xi32>,
      %and3A = arith.constant 16383 : i32
      %and3A_89 = vector.broadcast %and3A : i32 to vector<16xi32>
      %and3A_90 = arith.andi %get3A_80, %and3A_89 : vector<16xi32>
      %swap3A_91 = arith.constant 0 : i32
      %swap3A_92 = tpu.memref_slice %arg6[%scan3A_75, %swap3A_91] : memref<80x128xi32, #tpu.memory_space<vmem>> -> memref<1x128xi32, #tpu.memory_space<vmem>>
      %swap3A_93 = tpu.memref_squeeze %swap3A_92 : memref<1x128xi32, #tpu.memory_space<vmem>> -> memref<128xi32, #tpu.memory_space<vmem>>
      %swap3A_94 = arith.constant 0 : index
      %swap3A_95 = tpu.vector_load %swap3A_93[%swap3A_94] {strides = array<i32>} : memref<128xi32, #tpu.memory_space<vmem>>, vector<16xi32>,
      %swap3A_96 = vector.shape_cast %swap3A_95 : vector<16xi32> to vector<16xi32>
      %swap3A_97 = vector.shape_cast %and3A_90 : vector<16xi32> to vector<16xi32>
      tpu.vector_store %swap3A_93[%swap3A_94], %swap3A_97 {strides = array<i32>} : memref<128xi32, #tpu.memory_space<vmem>>, vector<16xi32>,
      %get3A_98 = arith.constant 0 : i32
      %get3A_99 = tpu.memref_slice %arg6[%scan3A_75, %get3A_98] : memref<80x128xi32, #tpu.memory_space<vmem>> -> memref<1x128xi32, #tpu.memory_space<vmem>>
      %get3A_100 = tpu.memref_squeeze %get3A_99 : memref<1x128xi32, #tpu.memory_space<vmem>> -> memref<128xi32, #tpu.memory_space<vmem>>
      %get3A_101 = arith.constant 16 : index
      %get3A_102 = tpu.vector_load %get3A_100[%get3A_101] {strides = array<i32>} : memref<128xi32, #tpu.memory_space<vmem>>, vector<16xi32>,
      %get3A_103 = vector.shape_cast %get3A_102 : vector<16xi32> to vector<16xi32>
      %shift_right_logical3A_104 = arith.constant 14 : i32
      %shift_right_logical3A_105 = vector.broadcast %shift_right_logical3A_104 : i32 to vector<16xi32>
      %shift_right_logical3A_106 = arith.shrui %get3A_103, %shift_right_logical3A_105 : vector<16xi32>
      %swap3A_107 = arith.constant 0 : i32
      %swap3A_108 = tpu.memref_slice %arg7[%scan3A_75, %swap3A_107] : memref<80x128xi32, #tpu.memory_space<vmem>> -> memref<1x128xi32, #tpu.memory_space<vmem>>
      %swap3A_109 = tpu.memref_squeeze %swap3A_108 : memref<1x128xi32, #tpu.memory_space<vmem>> -> memref<128xi32, #tpu.memory_space<vmem>>
      %swap3A_110 = arith.constant 16 : index
      %swap3A_111 = tpu.vector_load %swap3A_109[%swap3A_110] {strides = array<i32>} : memref<128xi32, #tpu.memory_space<vmem>>, vector<16xi32>,
      %swap3A_112 = vector.shape_cast %swap3A_111 : vector<16xi32> to vector<16xi32>
      %swap3A_113 = vector.shape_cast %shift_right_logical3A_106 : vector<16xi32> to vector<16xi32>
      tpu.vector_store %swap3A_109[%swap3A_110], %swap3A_113 {strides = array<i32>} : memref<128xi32, #tpu.memory_space<vmem>>, vector<16xi32>,
      %and3A_114 = arith.constant 16383 : i32
      %and3A_115 = vector.broadcast %and3A_114 : i32 to vector<16xi32>
      %and3A_116 = arith.andi %get3A_103, %and3A_115 : vector<16xi32>
      %swap3A_117 = arith.constant 0 : i32
      %swap3A_118 = tpu.memref_slice %arg6[%scan3A_75, %swap3A_117] : memref<80x128xi32, #tpu.memory_space<vmem>> -> memref<1x128xi32, #tpu.memory_space<vmem>>
      %swap3A_119 = tpu.memref_squeeze %swap3A_118 : memref<1x128xi32, #tpu.memory_space<vmem>> -> memref<128xi32, #tpu.memory_space<vmem>>
      %swap3A_120 = arith.constant 16 : index
      %swap3A_121 = tpu.vector_load %swap3A_119[%swap3A_120] {strides = array<i32>} : memref<128xi32, #tpu.memory_space<vmem>>, vector<16xi32>,
      %swap3A_122 = vector.shape_cast %swap3A_121 : vector<16xi32> to vector<16xi32>
      %swap3A_123 = vector.shape_cast %and3A_116 : vector<16xi32> to vector<16xi32>
      tpu.vector_store %swap3A_119[%swap3A_120], %swap3A_123 {strides = array<i32>} : memref<128xi32, #tpu.memory_space<vmem>>, vector<16xi32>,
      %get3A_124 = arith.constant 0 : i32
      %get3A_125 = tpu.memref_slice %arg6[%scan3A_75, %get3A_124] : memref<80x128xi32, #tpu.memory_space<vmem>> -> memref<1x128xi32, #tpu.memory_space<vmem>>
      %get3A_126 = tpu.memref_squeeze %get3A_125 : memref<1x128xi32, #tpu.memory_space<vmem>> -> memref<128xi32, #tpu.memory_space<vmem>>
      %get3A_127 = arith.constant 32 : index
      %get3A_128 = tpu.vector_load %get3A_126[%get3A_127] {strides = array<i32>} : memref<128xi32, #tpu.memory_space<vmem>>, vector<16xi32>,
      %get3A_129 = vector.shape_cast %get3A_128 : vector<16xi32> to vector<16xi32>
      %shift_right_logical3A_130 = arith.constant 14 : i32
      %shift_right_logical3A_131 = vector.broadcast %shift_right_logical3A_130 : i32 to vector<16xi32>
      %shift_right_logical3A_132 = arith.shrui %get3A_129, %shift_right_logical3A_131 : vector<16xi32>
      %swap3A_133 = arith.constant 0 : i32
      %swap3A_134 = tpu.memref_slice %arg7[%scan3A_75, %swap3A_133] : memref<80x128xi32, #tpu.memory_space<vmem>> -> memref<1x128xi32, #tpu.memory_space<vmem>>
      %swap3A_135 = tpu.memref_squeeze %swap3A_134 : memref<1x128xi32, #tpu.memory_space<vmem>> -> memref<128xi32, #tpu.memory_space<vmem>>
      %swap3A_136 = arith.constant 32 : index
      %swap3A_137 = tpu.vector_load %swap3A_135[%swap3A_136] {strides = array<i32>} : memref<128xi32, #tpu.memory_space<vmem>>, vector<16xi32>,
      %swap3A_138 = vector.shape_cast %swap3A_137 : vector<16xi32> to vector<16xi32>
      %swap3A_139 = vector.shape_cast %shift_right_logical3A_132 : vector<16xi32> to vector<16xi32>
      tpu.vector_store %swap3A_135[%swap3A_136], %swap3A_139 {strides = array<i32>} : memref<128xi32, #tpu.memory_space<vmem>>, vector<16xi32>,
      %and3A_140 = arith.constant 16383 : i32
      %and3A_141 = vector.broadcast %and3A_140 : i32 to vector<16xi32>
      %and3A_142 = arith.andi %get3A_129, %and3A_141 : vector<16xi32>
      %swap3A_143 = arith.constant 0 : i32
      %swap3A_144 = tpu.memref_slice %arg6[%scan3A_75, %swap3A_143] : memref<80x128xi32, #tpu.memory_space<vmem>> -> memref<1x128xi32, #tpu.memory_space<vmem>>
      %swap3A_145 = tpu.memref_squeeze %swap3A_144 : memref<1x128xi32, #tpu.memory_space<vmem>> -> memref<128xi32, #tpu.memory_space<vmem>>
      %swap3A_146 = arith.constant 32 : index
      %swap3A_147 = tpu.vector_load %swap3A_145[%swap3A_146] {strides = array<i32>} : memref<128xi32, #tpu.memory_space<vmem>>, vector<16xi32>,
      %swap3A_148 = vector.shape_cast %swap3A_147 : vector<16xi32> to vector<16xi32>
      %swap3A_149 = vector.shape_cast %and3A_142 : vector<16xi32> to vector<16xi32>
      tpu.vector_store %swap3A_145[%swap3A_146], %swap3A_149 {strides = array<i32>} : memref<128xi32, #tpu.memory_space<vmem>>, vector<16xi32>,
      %get3A_150 = arith.constant 0 : i32
      %get3A_151 = tpu.memref_slice %arg6[%scan3A_75, %get3A_150] : memref<80x128xi32, #tpu.memory_space<vmem>> -> memref<1x128xi32, #tpu.memory_space<vmem>>
      %get3A_152 = tpu.memref_squeeze %get3A_151 : memref<1x128xi32, #tpu.memory_space<vmem>> -> memref<128xi32, #tpu.memory_space<vmem>>
      %get3A_153 = arith.constant 48 : index
      %get3A_154 = tpu.vector_load %get3A_152[%get3A_153] {strides = array<i32>} : memref<128xi32, #tpu.memory_space<vmem>>, vector<16xi32>,
      %get3A_155 = vector.shape_cast %get3A_154 : vector<16xi32> to vector<16xi32>
      %shift_right_logical3A_156 = arith.constant 14 : i32
      %shift_right_logical3A_157 = vector.broadcast %shift_right_logical3A_156 : i32 to vector<16xi32>
      %shift_right_logical3A_158 = arith.shrui %get3A_155, %shift_right_logical3A_157 : vector<16xi32>
      %swap3A_159 = arith.constant 0 : i32
      %swap3A_160 = tpu.memref_slice %arg7[%scan3A_75, %swap3A_159] : memref<80x128xi32, #tpu.memory_space<vmem>> -> memref<1x128xi32, #tpu.memory_space<vmem>>
      %swap3A_161 = tpu.memref_squeeze %swap3A_160 : memref<1x128xi32, #tpu.memory_space<vmem>> -> memref<128xi32, #tpu.memory_space<vmem>>
      %swap3A_162 = arith.constant 48 : index
      %swap3A_163 = tpu.vector_load %swap3A_161[%swap3A_162] {strides = array<i32>} : memref<128xi32, #tpu.memory_space<vmem>>, vector<16xi32>,
      %swap3A_164 = vector.shape_cast %swap3A_163 : vector<16xi32> to vector<16xi32>
      %swap3A_165 = vector.shape_cast %shift_right_logical3A_158 : vector<16xi32> to vector<16xi32>
      tpu.vector_store %swap3A_161[%swap3A_162], %swap3A_165 {strides = array<i32>} : memref<128xi32, #tpu.memory_space<vmem>>, vector<16xi32>,
      %and3A_166 = arith.constant 16383 : i32
      %and3A_167 = vector.broadcast %and3A_166 : i32 to vector<16xi32>
      %and3A_168 = arith.andi %get3A_155, %and3A_167 : vector<16xi32>
      %swap3A_169 = arith.constant 0 : i32
      %swap3A_170 = tpu.memref_slice %arg6[%scan3A_75, %swap3A_169] : memref<80x128xi32, #tpu.memory_space<vmem>> -> memref<1x128xi32, #tpu.memory_space<vmem>>
      %swap3A_171 = tpu.memref_squeeze %swap3A_170 : memref<1x128xi32, #tpu.memory_space<vmem>> -> memref<128xi32, #tpu.memory_space<vmem>>
      %swap3A_172 = arith.constant 48 : index
      %swap3A_173 = tpu.vector_load %swap3A_171[%swap3A_172] {strides = array<i32>} : memref<128xi32, #tpu.memory_space<vmem>>, vector<16xi32>,
      %swap3A_174 = vector.shape_cast %swap3A_173 : vector<16xi32> to vector<16xi32>
      %swap3A_175 = vector.shape_cast %and3A_168 : vector<16xi32> to vector<16xi32>
      tpu.vector_store %swap3A_171[%swap3A_172], %swap3A_175 {strides = array<i32>} : memref<128xi32, #tpu.memory_space<vmem>>, vector<16xi32>,
      %get3A_176 = arith.constant 0 : i32
      %get3A_177 = tpu.memref_slice %arg6[%scan3A_75, %get3A_176] : memref<80x128xi32, #tpu.memory_space<vmem>> -> memref<1x128xi32, #tpu.memory_space<vmem>>
      %get3A_178 = tpu.memref_squeeze %get3A_177 : memref<1x128xi32, #tpu.memory_space<vmem>> -> memref<128xi32, #tpu.memory_space<vmem>>
      %get3A_179 = arith.constant 64 : index
      %get3A_180 = tpu.vector_load %get3A_178[%get3A_179] {strides = array<i32>} : memref<128xi32, #tpu.memory_space<vmem>>, vector<16xi32>,
      %get3A_181 = vector.shape_cast %get3A_180 : vector<16xi32> to vector<16xi32>
      %shift_right_logical3A_182 = arith.constant 14 : i32
      %shift_right_logical3A_183 = vector.broadcast %shift_right_logical3A_182 : i32 to vector<16xi32>
      %shift_right_logical3A_184 = arith.shrui %get3A_181, %shift_right_logical3A_183 : vector<16xi32>
      %swap3A_185 = arith.constant 0 : i32
      %swap3A_186 = tpu.memref_slice %arg7[%scan3A_75, %swap3A_185] : memref<80x128xi32, #tpu.memory_space<vmem>> -> memref<1x128xi32, #tpu.memory_space<vmem>>
      %swap3A_187 = tpu.memref_squeeze %swap3A_186 : memref<1x128xi32, #tpu.memory_space<vmem>> -> memref<128xi32, #tpu.memory_space<vmem>>
      %swap3A_188 = arith.constant 64 : index
      %swap3A_189 = tpu.vector_load %swap3A_187[%swap3A_188] {strides = array<i32>} : memref<128xi32, #tpu.memory_space<vmem>>, vector<16xi32>,
      %swap3A_190 = vector.shape_cast %swap3A_189 : vector<16xi32> to vector<16xi32>
      %swap3A_191 = vector.shape_cast %shift_right_logical3A_184 : vector<16xi32> to vector<16xi32>
      tpu.vector_store %swap3A_187[%swap3A_188], %swap3A_191 {strides = array<i32>} : memref<128xi32, #tpu.memory_space<vmem>>, vector<16xi32>,
      %and3A_192 = arith.constant 16383 : i32
      %and3A_193 = vector.broadcast %and3A_192 : i32 to vector<16xi32>
      %and3A_194 = arith.andi %get3A_181, %and3A_193 : vector<16xi32>
      %swap3A_195 = arith.constant 0 : i32
      %swap3A_196 = tpu.memref_slice %arg6[%scan3A_75, %swap3A_195] : memref<80x128xi32, #tpu.memory_space<vmem>> -> memref<1x128xi32, #tpu.memory_space<vmem>>
      %swap3A_197 = tpu.memref_squeeze %swap3A_196 : memref<1x128xi32, #tpu.memory_space<vmem>> -> memref<128xi32, #tpu.memory_space<vmem>>
      %swap3A_198 = arith.constant 64 : index
      %swap3A_199 = tpu.vector_load %swap3A_197[%swap3A_198] {strides = array<i32>} : memref<128xi32, #tpu.memory_space<vmem>>, vector<16xi32>,
      %swap3A_200 = vector.shape_cast %swap3A_199 : vector<16xi32> to vector<16xi32>
      %swap3A_201 = vector.shape_cast %and3A_194 : vector<16xi32> to vector<16xi32>
      tpu.vector_store %swap3A_197[%swap3A_198], %swap3A_201 {strides = array<i32>} : memref<128xi32, #tpu.memory_space<vmem>>, vector<16xi32>,
      %get3A_202 = arith.constant 0 : i32
      %get3A_203 = tpu.memref_slice %arg6[%scan3A_75, %get3A_202] : memref<80x128xi32, #tpu.memory_space<vmem>> -> memref<1x128xi32, #tpu.memory_space<vmem>>
      %get3A_204 = tpu.memref_squeeze %get3A_203 : memref<1x128xi32, #tpu.memory_space<vmem>> -> memref<128xi32, #tpu.memory_space<vmem>>
      %get3A_205 = arith.constant 80 : index
      %get3A_206 = tpu.vector_load %get3A_204[%get3A_205] {strides = array<i32>} : memref<128xi32, #tpu.memory_space<vmem>>, vector<16xi32>,
      %get3A_207 = vector.shape_cast %get3A_206 : vector<16xi32> to vector<16xi32>
      %shift_right_logical3A_208 = arith.constant 14 : i32
      %shift_right_logical3A_209 = vector.broadcast %shift_right_logical3A_208 : i32 to vector<16xi32>
      %shift_right_logical3A_210 = arith.shrui %get3A_207, %shift_right_logical3A_209 : vector<16xi32>
      %swap3A_211 = arith.constant 0 : i32
      %swap3A_212 = tpu.memref_slice %arg7[%scan3A_75, %swap3A_211] : memref<80x128xi32, #tpu.memory_space<vmem>> -> memref<1x128xi32, #tpu.memory_space<vmem>>
      %swap3A_213 = tpu.memref_squeeze %swap3A_212 : memref<1x128xi32, #tpu.memory_space<vmem>> -> memref<128xi32, #tpu.memory_space<vmem>>
      %swap3A_214 = arith.constant 80 : index
      %swap3A_215 = tpu.vector_load %swap3A_213[%swap3A_214] {strides = array<i32>} : memref<128xi32, #tpu.memory_space<vmem>>, vector<16xi32>,
      %swap3A_216 = vector.shape_cast %swap3A_215 : vector<16xi32> to vector<16xi32>
      %swap3A_217 = vector.shape_cast %shift_right_logical3A_210 : vector<16xi32> to vector<16xi32>
      tpu.vector_store %swap3A_213[%swap3A_214], %swap3A_217 {strides = array<i32>} : memref<128xi32, #tpu.memory_space<vmem>>, vector<16xi32>,
      %and3A_218 = arith.constant 16383 : i32
      %and3A_219 = vector.broadcast %and3A_218 : i32 to vector<16xi32>
      %and3A_220 = arith.andi %get3A_207, %and3A_219 : vector<16xi32>
      %swap3A_221 = arith.constant 0 : i32
      %swap3A_222 = tpu.memref_slice %arg6[%scan3A_75, %swap3A_221] : memref<80x128xi32, #tpu.memory_space<vmem>> -> memref<1x128xi32, #tpu.memory_space<vmem>>
      %swap3A_223 = tpu.memref_squeeze %swap3A_222 : memref<1x128xi32, #tpu.memory_space<vmem>> -> memref<128xi32, #tpu.memory_space<vmem>>
      %swap3A_224 = arith.constant 80 : index
      %swap3A_225 = tpu.vector_load %swap3A_223[%swap3A_224] {strides = array<i32>} : memref<128xi32, #tpu.memory_space<vmem>>, vector<16xi32>,
      %swap3A_226 = vector.shape_cast %swap3A_225 : vector<16xi32> to vector<16xi32>
      %swap3A_227 = vector.shape_cast %and3A_220 : vector<16xi32> to vector<16xi32>
      tpu.vector_store %swap3A_223[%swap3A_224], %swap3A_227 {strides = array<i32>} : memref<128xi32, #tpu.memory_space<vmem>>, vector<16xi32>,
      %get3A_228 = arith.constant 0 : i32
      %get3A_229 = tpu.memref_slice %arg6[%scan3A_75, %get3A_228] : memref<80x128xi32, #tpu.memory_space<vmem>> -> memref<1x128xi32, #tpu.memory_space<vmem>>
      %get3A_230 = tpu.memref_squeeze %get3A_229 : memref<1x128xi32, #tpu.memory_space<vmem>> -> memref<128xi32, #tpu.memory_space<vmem>>
      %get3A_231 = arith.constant 96 : index
      %get3A_232 = tpu.vector_load %get3A_230[%get3A_231] {strides = array<i32>} : memref<128xi32, #tpu.memory_space<vmem>>, vector<16xi32>,
      %get3A_233 = vector.shape_cast %get3A_232 : vector<16xi32> to vector<16xi32>
      %shift_right_logical3A_234 = arith.constant 14 : i32
      %shift_right_logical3A_235 = vector.broadcast %shift_right_logical3A_234 : i32 to vector<16xi32>
      %shift_right_logical3A_236 = arith.shrui %get3A_233, %shift_right_logical3A_235 : vector<16xi32>
      %swap3A_237 = arith.constant 0 : i32
      %swap3A_238 = tpu.memref_slice %arg7[%scan3A_75, %swap3A_237] : memref<80x128xi32, #tpu.memory_space<vmem>> -> memref<1x128xi32, #tpu.memory_space<vmem>>
      %swap3A_239 = tpu.memref_squeeze %swap3A_238 : memref<1x128xi32, #tpu.memory_space<vmem>> -> memref<128xi32, #tpu.memory_space<vmem>>
      %swap3A_240 = arith.constant 96 : index
      %swap3A_241 = tpu.vector_load %swap3A_239[%swap3A_240] {strides = array<i32>} : memref<128xi32, #tpu.memory_space<vmem>>, vector<16xi32>,
      %swap3A_242 = vector.shape_cast %swap3A_241 : vector<16xi32> to vector<16xi32>
      %swap3A_243 = vector.shape_cast %shift_right_logical3A_236 : vector<16xi32> to vector<16xi32>
      tpu.vector_store %swap3A_239[%swap3A_240], %swap3A_243 {strides = array<i32>} : memref<128xi32, #tpu.memory_space<vmem>>, vector<16xi32>,
      %and3A_244 = arith.constant 16383 : i32
      %and3A_245 = vector.broadcast %and3A_244 : i32 to vector<16xi32>
      %and3A_246 = arith.andi %get3A_233, %and3A_245 : vector<16xi32>
      %swap3A_247 = arith.constant 0 : i32
      %swap3A_248 = tpu.memref_slice %arg6[%scan3A_75, %swap3A_247] : memref<80x128xi32, #tpu.memory_space<vmem>> -> memref<1x128xi32, #tpu.memory_space<vmem>>
      %swap3A_249 = tpu.memref_squeeze %swap3A_248 : memref<1x128xi32, #tpu.memory_space<vmem>> -> memref<128xi32, #tpu.memory_space<vmem>>
      %swap3A_250 = arith.constant 96 : index
      %swap3A_251 = tpu.vector_load %swap3A_249[%swap3A_250] {strides = array<i32>} : memref<128xi32, #tpu.memory_space<vmem>>, vector<16xi32>,
      %swap3A_252 = vector.shape_cast %swap3A_251 : vector<16xi32> to vector<16xi32>
      %swap3A_253 = vector.shape_cast %and3A_246 : vector<16xi32> to vector<16xi32>
      tpu.vector_store %swap3A_249[%swap3A_250], %swap3A_253 {strides = array<i32>} : memref<128xi32, #tpu.memory_space<vmem>>, vector<16xi32>,
      %get3A_254 = arith.constant 0 : i32
      %get3A_255 = tpu.memref_slice %arg6[%scan3A_75, %get3A_254] : memref<80x128xi32, #tpu.memory_space<vmem>> -> memref<1x128xi32, #tpu.memory_space<vmem>>
      %get3A_256 = tpu.memref_squeeze %get3A_255 : memref<1x128xi32, #tpu.memory_space<vmem>> -> memref<128xi32, #tpu.memory_space<vmem>>
      %get3A_257 = arith.constant 112 : index
      %get3A_258 = tpu.vector_load %get3A_256[%get3A_257] {strides = array<i32>} : memref<128xi32, #tpu.memory_space<vmem>>, vector<16xi32>,
      %get3A_259 = vector.shape_cast %get3A_258 : vector<16xi32> to vector<16xi32>
      %shift_right_logical3A_260 = arith.constant 14 : i32
      %shift_right_logical3A_261 = vector.broadcast %shift_right_logical3A_260 : i32 to vector<16xi32>
      %shift_right_logical3A_262 = arith.shrui %get3A_259, %shift_right_logical3A_261 : vector<16xi32>
      %swap3A_263 = arith.constant 0 : i32
      %swap3A_264 = tpu.memref_slice %arg7[%scan3A_75, %swap3A_263] : memref<80x128xi32, #tpu.memory_space<vmem>> -> memref<1x128xi32, #tpu.memory_space<vmem>>
      %swap3A_265 = tpu.memref_squeeze %swap3A_264 : memref<1x128xi32, #tpu.memory_space<vmem>> -> memref<128xi32, #tpu.memory_space<vmem>>
      %swap3A_266 = arith.constant 112 : index
      %swap3A_267 = tpu.vector_load %swap3A_265[%swap3A_266] {strides = array<i32>} : memref<128xi32, #tpu.memory_space<vmem>>, vector<16xi32>,
      %swap3A_268 = vector.shape_cast %swap3A_267 : vector<16xi32> to vector<16xi32>
      %swap3A_269 = vector.shape_cast %shift_right_logical3A_262 : vector<16xi32> to vector<16xi32>
      tpu.vector_store %swap3A_265[%swap3A_266], %swap3A_269 {strides = array<i32>} : memref<128xi32, #tpu.memory_space<vmem>>, vector<16xi32>,
      %and3A_270 = arith.constant 16383 : i32
      %and3A_271 = vector.broadcast %and3A_270 : i32 to vector<16xi32>
      %and3A_272 = arith.andi %get3A_259, %and3A_271 : vector<16xi32>
      %swap3A_273 = arith.constant 0 : i32
      %swap3A_274 = tpu.memref_slice %arg6[%scan3A_75, %swap3A_273] : memref<80x128xi32, #tpu.memory_space<vmem>> -> memref<1x128xi32, #tpu.memory_space<vmem>>
      %swap3A_275 = tpu.memref_squeeze %swap3A_274 : memref<1x128xi32, #tpu.memory_space<vmem>> -> memref<128xi32, #tpu.memory_space<vmem>>
      %swap3A_276 = arith.constant 112 : index
      %swap3A_277 = tpu.vector_load %swap3A_275[%swap3A_276] {strides = array<i32>} : memref<128xi32, #tpu.memory_space<vmem>>, vector<16xi32>,
      %swap3A_278 = vector.shape_cast %swap3A_277 : vector<16xi32> to vector<16xi32>
      %swap3A_279 = vector.shape_cast %and3A_272 : vector<16xi32> to vector<16xi32>
      tpu.vector_store %swap3A_275[%swap3A_276], %swap3A_279 {strides = array<i32>} : memref<128xi32, #tpu.memory_space<vmem>>, vector<16xi32>,
    }
    %scan3A_13 = arith.constant 80 : i32
    %barrier3A = arith.constant 0 : index
    tpu.barrier barrier_id(%barrier3A)
    %dma_start3A = arith.constant 0 : i32
    %dma_start3A_14 = arith.constant 0 : i32
    %dma_start3A_15 = tpu.memref_slice %arg6[%dma_start3A, %dma_start3A_14] : memref<80x128xi32, #tpu.memory_space<vmem>> -> memref<1x128xi32, #tpu.memory_space<vmem>>
    %dma_start3A_16 = tpu.memref_squeeze %dma_start3A_15 : memref<1x128xi32, #tpu.memory_space<vmem>> -> memref<128xi32, #tpu.memory_space<vmem>>
    %dma_start3A_17 = arith.constant 0 : i32
    %dma_start3A_18 = arith.constant 0 : i32
    %dma_start3A_19 = tpu.memref_slice %arg11[%dma_start3A_17, %dma_start3A_18] : memref<10000x64xf32, #tpu.memory_space<vmem_shared>> -> memref<10000x64xf32, #tpu.memory_space<vmem_shared>>
    tpu.enqueue_indirect_dma source(%dma_start3A_19 : memref<10000x64xf32, #tpu.memory_space<vmem_shared>>) target(%arg8 : memref<128x64xf32, #tpu.memory_space<vmem>>) offsets(%dma_start3A_16 : memref<128xi32, #tpu.memory_space<vmem>>) semaphore(%arg12 : memref<!tpu.dma_semaphore, #tpu.memory_space<semaphore_mem>>)
    %dma_start3A_20 = arith.constant 1 : i32
    %dma_start3A_21 = arith.constant 0 : i32
    %dma_start3A_22 = tpu.memref_slice %arg6[%dma_start3A_20, %dma_start3A_21] : memref<80x128xi32, #tpu.memory_space<vmem>> -> memref<1x128xi32, #tpu.memory_space<vmem>>
    %dma_start3A_23 = tpu.memref_squeeze %dma_start3A_22 : memref<1x128xi32, #tpu.memory_space<vmem>> -> memref<128xi32, #tpu.memory_space<vmem>>
    %dma_start3A_24 = arith.constant 0 : i32
    %dma_start3A_25 = arith.constant 0 : i32
    %dma_start3A_26 = tpu.memref_slice %arg11[%dma_start3A_24, %dma_start3A_25] : memref<10000x64xf32, #tpu.memory_space<vmem_shared>> -> memref<10000x64xf32, #tpu.memory_space<vmem_shared>>
    tpu.enqueue_indirect_dma source(%dma_start3A_26 : memref<10000x64xf32, #tpu.memory_space<vmem_shared>>) target(%arg9 : memref<128x64xf32, #tpu.memory_space<vmem>>) offsets(%dma_start3A_23 : memref<128xi32, #tpu.memory_space<vmem>>) semaphore(%arg13 : memref<!tpu.dma_semaphore, #tpu.memory_space<semaphore_mem>>)
    %scan3A_27 = arith.constant 0 : i32
    %scan3A_28 = arith.constant 0 : i32
    %scan3A_29 = arith.constant 39 : i32
    %scan3A_30 = arith.addi %scan3A_28, %scan3A_29 : i32
    %scan3A_31 = arith.constant 1 : i32
    scf.for %scan3A_75 = %scan3A_28 to %scan3A_30 step %scan3A_31  : i32 {
      %mul3A_76 = arith.constant 2 : i32
      %mul3A_77 = arith.muli %mul3A_76, %scan3A_75 : i32
      %dma_wait3A_78 = arith.constant 0 : i32
      %dma_wait3A_79 = arith.constant 0 : i32
      %dma_wait3A_80 = tpu.memref_slice %arg4[%dma_wait3A_78, %dma_wait3A_79] : memref<640x64xf32, #tpu.memory_space<hbm>> -> memref<128x64xf32, #tpu.memory_space<hbm>>
      %dma_wait3A_81 = arith.constant 0 : i32
      %dma_wait3A_82 = arith.constant 0 : i32
      %dma_wait3A_83 = tpu.memref_slice %arg4[%dma_wait3A_81, %dma_wait3A_82] : memref<640x64xf32, #tpu.memory_space<hbm>> -> memref<128x64xf32, #tpu.memory_space<hbm>>
      tpu.wait_dma2 semaphore(%arg12 : memref<!tpu.dma_semaphore, #tpu.memory_space<semaphore_mem>>) src(%dma_wait3A_83 : memref<128x64xf32, #tpu.memory_space<hbm>>) dst(%arg8 : memref<128x64xf32, #tpu.memory_space<vmem>>)
      %dma_start3A_84 = arith.constant 0 : i32
      %dma_start3A_85 = tpu.memref_slice %arg7[%mul3A_77, %dma_start3A_84] : memref<80x128xi32, #tpu.memory_space<vmem>> -> memref<1x128xi32, #tpu.memory_space<vmem>>
      %dma_start3A_86 = tpu.memref_squeeze %dma_start3A_85 : memref<1x128xi32, #tpu.memory_space<vmem>> -> memref<128xi32, #tpu.memory_space<vmem>>
      %dma_start3A_87 = arith.constant 0 : i32
      %dma_start3A_88 = arith.constant 0 : i32
      %dma_start3A_89 = tpu.memref_slice %arg10[%dma_start3A_87, %dma_start3A_88] : memref<10240x64xf32, #tpu.memory_space<vmem_shared>> -> memref<10240x64xf32, #tpu.memory_space<vmem_shared>>
      tpu.enqueue_indirect_dma source(%arg8 : memref<128x64xf32, #tpu.memory_space<vmem>>) target(%dma_start3A_89 : memref<10240x64xf32, #tpu.memory_space<vmem_shared>>) offsets(%dma_start3A_86 : memref<128xi32, #tpu.memory_space<vmem>>) semaphore(%arg14 : memref<!tpu.dma_semaphore, #tpu.memory_space<semaphore_mem>>) {add = true}
      %dma_wait3A_90 = arith.constant 0 : i32
      %dma_wait3A_91 = arith.constant 0 : i32
      %dma_wait3A_92 = tpu.memref_slice %arg4[%dma_wait3A_90, %dma_wait3A_91] : memref<640x64xf32, #tpu.memory_space<hbm>> -> memref<128x64xf32, #tpu.memory_space<hbm>>
      %dma_wait3A_93 = arith.constant 0 : i32
      %dma_wait3A_94 = arith.constant 0 : i32
      %dma_wait3A_95 = tpu.memref_slice %arg4[%dma_wait3A_93, %dma_wait3A_94] : memref<640x64xf32, #tpu.memory_space<hbm>> -> memref<128x64xf32, #tpu.memory_space<hbm>>
      tpu.wait_dma2 semaphore(%arg13 : memref<!tpu.dma_semaphore, #tpu.memory_space<semaphore_mem>>) src(%dma_wait3A_95 : memref<128x64xf32, #tpu.memory_space<hbm>>) dst(%arg9 : memref<128x64xf32, #tpu.memory_space<vmem>>)
      %add3A_96 = arith.constant 1 : i32
      %add3A_97 = arith.addi %mul3A_77, %add3A_96 : i32
      %dma_start3A_98 = arith.constant 0 : i32
      %dma_start3A_99 = tpu.memref_slice %arg7[%add3A_97, %dma_start3A_98] : memref<80x128xi32, #tpu.memory_space<vmem>> -> memref<1x128xi32, #tpu.memory_space<vmem>>
      %dma_start3A_100 = tpu.memref_squeeze %dma_start3A_99 : memref<1x128xi32, #tpu.memory_space<vmem>> -> memref<128xi32, #tpu.memory_space<vmem>>
      %dma_start3A_101 = arith.constant 0 : i32
      %dma_start3A_102 = arith.constant 0 : i32
      %dma_start3A_103 = tpu.memref_slice %arg10[%dma_start3A_101, %dma_start3A_102] : memref<10240x64xf32, #tpu.memory_space<vmem_shared>> -> memref<10240x64xf32, #tpu.memory_space<vmem_shared>>
      tpu.enqueue_indirect_dma source(%arg9 : memref<128x64xf32, #tpu.memory_space<vmem>>) target(%dma_start3A_103 : memref<10240x64xf32, #tpu.memory_space<vmem_shared>>) offsets(%dma_start3A_100 : memref<128xi32, #tpu.memory_space<vmem>>) semaphore(%arg15 : memref<!tpu.dma_semaphore, #tpu.memory_space<semaphore_mem>>) {add = true}
      %dma_wait3A_104 = arith.constant 0 : i32
      %dma_wait3A_105 = arith.constant 0 : i32
      %dma_wait3A_106 = tpu.memref_slice %arg4[%dma_wait3A_104, %dma_wait3A_105] : memref<640x64xf32, #tpu.memory_space<hbm>> -> memref<128x64xf32, #tpu.memory_space<hbm>>
      %dma_wait3A_107 = arith.constant 0 : i32
      %dma_wait3A_108 = arith.constant 0 : i32
      %dma_wait3A_109 = tpu.memref_slice %arg4[%dma_wait3A_107, %dma_wait3A_108] : memref<640x64xf32, #tpu.memory_space<hbm>> -> memref<128x64xf32, #tpu.memory_space<hbm>>
      tpu.wait_dma2 semaphore(%arg14 : memref<!tpu.dma_semaphore, #tpu.memory_space<semaphore_mem>>) src(%dma_wait3A_109 : memref<128x64xf32, #tpu.memory_space<hbm>>) dst(%arg8 : memref<128x64xf32, #tpu.memory_space<vmem>>)
      %add3A_110 = arith.constant 2 : i32
      %add3A_111 = arith.addi %mul3A_77, %add3A_110 : i32
      %dma_start3A_112 = arith.constant 0 : i32
      %dma_start3A_113 = tpu.memref_slice %arg6[%add3A_111, %dma_start3A_112] : memref<80x128xi32, #tpu.memory_space<vmem>> -> memref<1x128xi32, #tpu.memory_space<vmem>>
      %dma_start3A_114 = tpu.memref_squeeze %dma_start3A_113 : memref<1x128xi32, #tpu.memory_space<vmem>> -> memref<128xi32, #tpu.memory_space<vmem>>
      %dma_start3A_115 = arith.constant 0 : i32
      %dma_start3A_116 = arith.constant 0 : i32
      %dma_start3A_117 = tpu.memref_slice %arg11[%dma_start3A_115, %dma_start3A_116] : memref<10000x64xf32, #tpu.memory_space<vmem_shared>> -> memref<10000x64xf32, #tpu.memory_space<vmem_shared>>
      tpu.enqueue_indirect_dma source(%dma_start3A_117 : memref<10000x64xf32, #tpu.memory_space<vmem_shared>>) target(%arg8 : memref<128x64xf32, #tpu.memory_space<vmem>>) offsets(%dma_start3A_114 : memref<128xi32, #tpu.memory_space<vmem>>) semaphore(%arg12 : memref<!tpu.dma_semaphore, #tpu.memory_space<semaphore_mem>>)
      %dma_wait3A_118 = arith.constant 0 : i32
      %dma_wait3A_119 = arith.constant 0 : i32
      %dma_wait3A_120 = tpu.memref_slice %arg4[%dma_wait3A_118, %dma_wait3A_119] : memref<640x64xf32, #tpu.memory_space<hbm>> -> memref<128x64xf32, #tpu.memory_space<hbm>>
      %dma_wait3A_121 = arith.constant 0 : i32
      %dma_wait3A_122 = arith.constant 0 : i32
      %dma_wait3A_123 = tpu.memref_slice %arg4[%dma_wait3A_121, %dma_wait3A_122] : memref<640x64xf32, #tpu.memory_space<hbm>> -> memref<128x64xf32, #tpu.memory_space<hbm>>
      tpu.wait_dma2 semaphore(%arg15 : memref<!tpu.dma_semaphore, #tpu.memory_space<semaphore_mem>>) src(%dma_wait3A_123 : memref<128x64xf32, #tpu.memory_space<hbm>>) dst(%arg9 : memref<128x64xf32, #tpu.memory_space<vmem>>)
      %add3A_124 = arith.constant 3 : i32
      %add3A_125 = arith.addi %mul3A_77, %add3A_124 : i32
      %dma_start3A_126 = arith.constant 0 : i32
      %dma_start3A_127 = tpu.memref_slice %arg6[%add3A_125, %dma_start3A_126] : memref<80x128xi32, #tpu.memory_space<vmem>> -> memref<1x128xi32, #tpu.memory_space<vmem>>
      %dma_start3A_128 = tpu.memref_squeeze %dma_start3A_127 : memref<1x128xi32, #tpu.memory_space<vmem>> -> memref<128xi32, #tpu.memory_space<vmem>>
      %dma_start3A_129 = arith.constant 0 : i32
      %dma_start3A_130 = arith.constant 0 : i32
      %dma_start3A_131 = tpu.memref_slice %arg11[%dma_start3A_129, %dma_start3A_130] : memref<10000x64xf32, #tpu.memory_space<vmem_shared>> -> memref<10000x64xf32, #tpu.memory_space<vmem_shared>>
      tpu.enqueue_indirect_dma source(%dma_start3A_131 : memref<10000x64xf32, #tpu.memory_space<vmem_shared>>) target(%arg9 : memref<128x64xf32, #tpu.memory_space<vmem>>) offsets(%dma_start3A_128 : memref<128xi32, #tpu.memory_space<vmem>>) semaphore(%arg13 : memref<!tpu.dma_semaphore, #tpu.memory_space<semaphore_mem>>)
    }
    %scan3A_32 = arith.constant 39 : i32
    %dma_wait3A = arith.constant 0 : i32
    %dma_wait3A_33 = arith.constant 0 : i32
    %dma_wait3A_34 = tpu.memref_slice %arg4[%dma_wait3A, %dma_wait3A_33] : memref<640x64xf32, #tpu.memory_space<hbm>> -> memref<128x64xf32, #tpu.memory_space<hbm>>
    %dma_wait3A_35 = arith.constant 0 : i32
    %dma_wait3A_36 = arith.constant 0 : i32
    %dma_wait3A_37 = tpu.memref_slice %arg4[%dma_wait3A_35, %dma_wait3A_36] : memref<640x64xf32, #tpu.memory_space<hbm>> -> memref<128x64xf32, #tpu.memory_space<hbm>>
    tpu.wait_dma2 semaphore(%arg12 : memref<!tpu.dma_semaphore, #tpu.memory_space<semaphore_mem>>) src(%dma_wait3A_37 : memref<128x64xf32, #tpu.memory_space<hbm>>) dst(%arg8 : memref<128x64xf32, #tpu.memory_space<vmem>>)
    %dma_start3A_38 = arith.constant 78 : i32
    %dma_start3A_39 = arith.constant 0 : i32
    %dma_start3A_40 = tpu.memref_slice %arg7[%dma_start3A_38, %dma_start3A_39] : memref<80x128xi32, #tpu.memory_space<vmem>> -> memref<1x128xi32, #tpu.memory_space<vmem>>
    %dma_start3A_41 = tpu.memref_squeeze %dma_start3A_40 : memref<1x128xi32, #tpu.memory_space<vmem>> -> memref<128xi32, #tpu.memory_space<vmem>>
    %dma_start3A_42 = arith.constant 0 : i32
    %dma_start3A_43 = arith.constant 0 : i32
    %dma_start3A_44 = tpu.memref_slice %arg10[%dma_start3A_42, %dma_start3A_43] : memref<10240x64xf32, #tpu.memory_space<vmem_shared>> -> memref<10240x64xf32, #tpu.memory_space<vmem_shared>>
    tpu.enqueue_indirect_dma source(%arg8 : memref<128x64xf32, #tpu.memory_space<vmem>>) target(%dma_start3A_44 : memref<10240x64xf32, #tpu.memory_space<vmem_shared>>) offsets(%dma_start3A_41 : memref<128xi32, #tpu.memory_space<vmem>>) semaphore(%arg14 : memref<!tpu.dma_semaphore, #tpu.memory_space<semaphore_mem>>) {add = true}
    %dma_wait3A_45 = arith.constant 0 : i32
    %dma_wait3A_46 = arith.constant 0 : i32
    %dma_wait3A_47 = tpu.memref_slice %arg4[%dma_wait3A_45, %dma_wait3A_46] : memref<640x64xf32, #tpu.memory_space<hbm>> -> memref<128x64xf32, #tpu.memory_space<hbm>>
    %dma_wait3A_48 = arith.constant 0 : i32
    %dma_wait3A_49 = arith.constant 0 : i32
    %dma_wait3A_50 = tpu.memref_slice %arg4[%dma_wait3A_48, %dma_wait3A_49] : memref<640x64xf32, #tpu.memory_space<hbm>> -> memref<128x64xf32, #tpu.memory_space<hbm>>
    tpu.wait_dma2 semaphore(%arg13 : memref<!tpu.dma_semaphore, #tpu.memory_space<semaphore_mem>>) src(%dma_wait3A_50 : memref<128x64xf32, #tpu.memory_space<hbm>>) dst(%arg9 : memref<128x64xf32, #tpu.memory_space<vmem>>)
    %dma_start3A_51 = arith.constant 79 : i32
    %dma_start3A_52 = arith.constant 0 : i32
    %dma_start3A_53 = tpu.memref_slice %arg7[%dma_start3A_51, %dma_start3A_52] : memref<80x128xi32, #tpu.memory_space<vmem>> -> memref<1x128xi32, #tpu.memory_space<vmem>>
    %dma_start3A_54 = tpu.memref_squeeze %dma_start3A_53 : memref<1x128xi32, #tpu.memory_space<vmem>> -> memref<128xi32, #tpu.memory_space<vmem>>
    %dma_start3A_55 = arith.constant 0 : i32
    %dma_start3A_56 = arith.constant 0 : i32
    %dma_start3A_57 = tpu.memref_slice %arg10[%dma_start3A_55, %dma_start3A_56] : memref<10240x64xf32, #tpu.memory_space<vmem_shared>> -> memref<10240x64xf32, #tpu.memory_space<vmem_shared>>
    tpu.enqueue_indirect_dma source(%arg9 : memref<128x64xf32, #tpu.memory_space<vmem>>) target(%dma_start3A_57 : memref<10240x64xf32, #tpu.memory_space<vmem_shared>>) offsets(%dma_start3A_54 : memref<128xi32, #tpu.memory_space<vmem>>) semaphore(%arg15 : memref<!tpu.dma_semaphore, #tpu.memory_space<semaphore_mem>>) {add = true}
    %dma_wait3A_58 = arith.constant 0 : i32
    %dma_wait3A_59 = arith.constant 0 : i32
    %dma_wait3A_60 = tpu.memref_slice %arg4[%dma_wait3A_58, %dma_wait3A_59] : memref<640x64xf32, #tpu.memory_space<hbm>> -> memref<128x64xf32, #tpu.memory_space<hbm>>
    %dma_wait3A_61 = arith.constant 0 : i32
    %dma_wait3A_62 = arith.constant 0 : i32
    %dma_wait3A_63 = tpu.memref_slice %arg4[%dma_wait3A_61, %dma_wait3A_62] : memref<640x64xf32, #tpu.memory_space<hbm>> -> memref<128x64xf32, #tpu.memory_space<hbm>>
    tpu.wait_dma2 semaphore(%arg14 : memref<!tpu.dma_semaphore, #tpu.memory_space<semaphore_mem>>) src(%dma_wait3A_63 : memref<128x64xf32, #tpu.memory_space<hbm>>) dst(%arg8 : memref<128x64xf32, #tpu.memory_space<vmem>>)
    %dma_wait3A_64 = arith.constant 0 : i32
    %dma_wait3A_65 = arith.constant 0 : i32
    %dma_wait3A_66 = tpu.memref_slice %arg4[%dma_wait3A_64, %dma_wait3A_65] : memref<640x64xf32, #tpu.memory_space<hbm>> -> memref<128x64xf32, #tpu.memory_space<hbm>>
    %dma_wait3A_67 = arith.constant 0 : i32
    %dma_wait3A_68 = arith.constant 0 : i32
    %dma_wait3A_69 = tpu.memref_slice %arg4[%dma_wait3A_67, %dma_wait3A_68] : memref<640x64xf32, #tpu.memory_space<hbm>> -> memref<128x64xf32, #tpu.memory_space<hbm>>
    tpu.wait_dma2 semaphore(%arg15 : memref<!tpu.dma_semaphore, #tpu.memory_space<semaphore_mem>>) src(%dma_wait3A_69 : memref<128x64xf32, #tpu.memory_space<hbm>>) dst(%arg9 : memref<128x64xf32, #tpu.memory_space<vmem>>)
    %barrier3A_70 = arith.constant 0 : index
    tpu.barrier barrier_id(%barrier3A_70)
    %mul3A_71 = arith.constant 625 : i32
    %mul3A_72 = arith.muli %arg1, %mul3A_71 : i32
    %mul3A_73 = arith.constant 625 : i32
    %mul3A_74 = arith.muli %arg1, %mul3A_73 : i32
    "tpu.region"() ({
      %run_scoped3A = tpu.sem_alloc : memref<!tpu.dma_semaphore, #tpu.memory_space<semaphore_mem>>
      %dma_start3A_75 = arith.constant 0 : i32
      %dma_start3A_76 = tpu.memref_slice %arg5[%arg0, %mul3A_74, %dma_start3A_75] : memref<2x10000x64xf32, #tpu.memory_space<hbm>> -> memref<1x625x64xf32, #tpu.memory_space<hbm>>
      %dma_start3A_77 = tpu.memref_squeeze %dma_start3A_76 : memref<1x625x64xf32, #tpu.memory_space<hbm>> -> memref<625x64xf32, #tpu.memory_space<hbm>>
      %dma_start3A_78 = arith.constant 0 : i32
      %dma_start3A_79 = tpu.memref_slice %arg10[%mul3A_72, %dma_start3A_78] : memref<10240x64xf32, #tpu.memory_space<vmem_shared>> -> memref<625x64xf32, #tpu.memory_space<vmem_shared>>
      tpu.enqueue_dma source(%dma_start3A_79 : memref<625x64xf32, #tpu.memory_space<vmem_shared>>) target(%dma_start3A_77 : memref<625x64xf32, #tpu.memory_space<hbm>>) target_semaphore(%run_scoped3A : memref<!tpu.dma_semaphore, #tpu.memory_space<semaphore_mem>>)
      %dma_wait3A_80 = arith.constant 0 : i32
      %dma_wait3A_81 = tpu.memref_slice %arg5[%arg0, %mul3A_74, %dma_wait3A_80] : memref<2x10000x64xf32, #tpu.memory_space<hbm>> -> memref<1x625x64xf32, #tpu.memory_space<hbm>>
      %dma_wait3A_82 = tpu.memref_squeeze %dma_wait3A_81 : memref<1x625x64xf32, #tpu.memory_space<hbm>> -> memref<625x64xf32, #tpu.memory_space<hbm>>
      %dma_wait3A_83 = arith.constant 0 : i32
      %dma_wait3A_84 = tpu.memref_slice %arg10[%mul3A_72, %dma_wait3A_83] : memref<10240x64xf32, #tpu.memory_space<vmem_shared>> -> memref<625x64xf32, #tpu.memory_space<vmem_shared>>
      tpu.wait_dma2 semaphore(%run_scoped3A : memref<!tpu.dma_semaphore, #tpu.memory_space<semaphore_mem>>) src(%dma_wait3A_84 : memref<625x64xf32, #tpu.memory_space<vmem_shared>>) dst(%dma_wait3A_82 : memref<625x64xf32, #tpu.memory_space<hbm>>)
      tpu.yield
    }) : () -> ()
    return
  }
}

#map = affine_map<(d0, d1) -> (0, 0)>
#map1 = affine_map<(d0, d1) -> (0, 0, 0)>
module attributes {stable_mosaic.version = 14 : i64} {
  func.func @_sc_edge_scatter(%arg0: i32, %arg1: i32, %arg2: memref<10000x64xf32, #tpu.memory_space<hbm>>, %arg3: memref<2560x128xi32, #tpu.memory_space<hbm>>, %arg4: memref<640x64xf32, #tpu.memory_space<hbm>>, %arg5: memref<2x10000x64xf32, #tpu.memory_space<hbm>>, %arg6: memref<80x128xi32, #tpu.memory_space<vmem>>, %arg7: memref<80x128xi32, #tpu.memory_space<vmem>>, %arg8: memref<128x64xf32, #tpu.memory_space<vmem>>, %arg9: memref<128x64xf32, #tpu.memory_space<vmem>>, %arg10: memref<10240x64xf32, #tpu.memory_space<vmem_shared>>, %arg11: memref<10000x64xf32, #tpu.memory_space<vmem_shared>>, %arg12: memref<!tpu.dma_semaphore, #tpu.memory_space<semaphore_mem>>, %arg13: memref<!tpu.dma_semaphore, #tpu.memory_space<semaphore_mem>>, %arg14: memref<!tpu.dma_semaphore, #tpu.memory_space<semaphore_mem>>, %arg15: memref<!tpu.dma_semaphore, #tpu.memory_space<semaphore_mem>>) attributes {dimension_semantics = [#tpu.dimension_semantics<core_parallel>, #tpu.dimension_semantics<subcore_parallel>], iteration_bounds = array<i64: 2, 16>, scalar_prefetch = 0 : i64, scratch_operands = 10 : i64, tpu.core_type = #tpu.core_type<sc_vector_subcore>, window_params = [{transform_indices = #map}, {transform_indices = #map}, {transform_indices = #map}, {transform_indices = #map1}]} {
    %mul3A = arith.constant 16 : i32
    %mul3A_0 = arith.muli %arg0, %mul3A : i32
    %add3A = arith.addi %mul3A_0, %arg1 : i32
    %mul3A_1 = arith.constant 80 : i32
    %mul3A_2 = arith.muli %add3A, %mul3A_1 : i32
    "tpu.region"() ({
      %run_scoped3A = tpu.sem_alloc : memref<!tpu.dma_semaphore, #tpu.memory_space<semaphore_mem>>
      %dma_start3A_75 = arith.constant 0 : i32
      %dma_start3A_76 = tpu.memref_slice %arg3[%mul3A_2, %dma_start3A_75] : memref<2560x128xi32, #tpu.memory_space<hbm>> -> memref<80x128xi32, #tpu.memory_space<hbm>>
      %dma_start3A_77 = arith.constant 0 : i32
      %dma_start3A_78 = tpu.memref_slice %arg3[%mul3A_2, %dma_start3A_77] : memref<2560x128xi32, #tpu.memory_space<hbm>> -> memref<80x128xi32, #tpu.memory_space<hbm>>
      tpu.enqueue_dma source(%dma_start3A_78 : memref<80x128xi32, #tpu.memory_space<hbm>>) target(%arg6 : memref<80x128xi32, #tpu.memory_space<vmem>>) target_semaphore(%run_scoped3A : memref<!tpu.dma_semaphore, #tpu.memory_space<semaphore_mem>>)
      %dma_wait3A_79 = arith.constant 0 : i32
      %dma_wait3A_80 = tpu.memref_slice %arg3[%mul3A_2, %dma_wait3A_79] : memref<2560x128xi32, #tpu.memory_space<hbm>> -> memref<80x128xi32, #tpu.memory_space<hbm>>
      %dma_wait3A_81 = arith.constant 0 : i32
      %dma_wait3A_82 = tpu.memref_slice %arg3[%mul3A_2, %dma_wait3A_81] : memref<2560x128xi32, #tpu.memory_space<hbm>> -> memref<80x128xi32, #tpu.memory_space<hbm>>
      tpu.wait_dma2 semaphore(%run_scoped3A : memref<!tpu.dma_semaphore, #tpu.memory_space<semaphore_mem>>) src(%dma_wait3A_82 : memref<80x128xi32, #tpu.memory_space<hbm>>) dst(%arg6 : memref<80x128xi32, #tpu.memory_space<vmem>>)
      tpu.yield
    }) : () -> ()
    %mul3A_3 = arith.constant 640 : i32
    %mul3A_4 = arith.muli %arg1, %mul3A_3 : i32
    "tpu.region"() ({
      %run_scoped3A = tpu.sem_alloc : memref<!tpu.dma_semaphore, #tpu.memory_space<semaphore_mem>>
      %dma_start3A_75 = arith.constant 0 : i32
      %dma_start3A_76 = tpu.memref_slice %arg10[%mul3A_4, %dma_start3A_75] : memref<10240x64xf32, #tpu.memory_space<vmem_shared>> -> memref<640x64xf32, #tpu.memory_space<vmem_shared>>
      tpu.enqueue_dma source(%arg4 : memref<640x64xf32, #tpu.memory_space<hbm>>) target(%dma_start3A_76 : memref<640x64xf32, #tpu.memory_space<vmem_shared>>) target_semaphore(%run_scoped3A : memref<!tpu.dma_semaphore, #tpu.memory_space<semaphore_mem>>)
      %dma_wait3A_77 = arith.constant 0 : i32
      %dma_wait3A_78 = tpu.memref_slice %arg10[%mul3A_4, %dma_wait3A_77] : memref<10240x64xf32, #tpu.memory_space<vmem_shared>> -> memref<640x64xf32, #tpu.memory_space<vmem_shared>>
      tpu.wait_dma2 semaphore(%run_scoped3A : memref<!tpu.dma_semaphore, #tpu.memory_space<semaphore_mem>>) src(%arg4 : memref<640x64xf32, #tpu.memory_space<hbm>>) dst(%dma_wait3A_78 : memref<640x64xf32, #tpu.memory_space<vmem_shared>>)
      tpu.yield
    }) : () -> ()
    %mul3A_5 = arith.constant 625 : i32
    %mul3A_6 = arith.muli %arg1, %mul3A_5 : i32
    %mul3A_7 = arith.constant 625 : i32
    %mul3A_8 = arith.muli %arg1, %mul3A_7 : i32
    "tpu.region"() ({
      %run_scoped3A = tpu.sem_alloc : memref<!tpu.dma_semaphore, #tpu.memory_space<semaphore_mem>>
      %dma_start3A_75 = arith.constant 0 : i32
      %dma_start3A_76 = tpu.memref_slice %arg11[%mul3A_8, %dma_start3A_75] : memref<10000x64xf32, #tpu.memory_space<vmem_shared>> -> memref<625x64xf32, #tpu.memory_space<vmem_shared>>
      %dma_start3A_77 = arith.constant 0 : i32
      %dma_start3A_78 = tpu.memref_slice %arg2[%mul3A_6, %dma_start3A_77] : memref<10000x64xf32, #tpu.memory_space<hbm>> -> memref<625x64xf32, #tpu.memory_space<hbm>>
      tpu.enqueue_dma source(%dma_start3A_78 : memref<625x64xf32, #tpu.memory_space<hbm>>) target(%dma_start3A_76 : memref<625x64xf32, #tpu.memory_space<vmem_shared>>) target_semaphore(%run_scoped3A : memref<!tpu.dma_semaphore, #tpu.memory_space<semaphore_mem>>)
      %dma_wait3A_79 = arith.constant 0 : i32
      %dma_wait3A_80 = tpu.memref_slice %arg11[%mul3A_8, %dma_wait3A_79] : memref<10000x64xf32, #tpu.memory_space<vmem_shared>> -> memref<625x64xf32, #tpu.memory_space<vmem_shared>>
      %dma_wait3A_81 = arith.constant 0 : i32
      %dma_wait3A_82 = tpu.memref_slice %arg2[%mul3A_6, %dma_wait3A_81] : memref<10000x64xf32, #tpu.memory_space<hbm>> -> memref<625x64xf32, #tpu.memory_space<hbm>>
      tpu.wait_dma2 semaphore(%run_scoped3A : memref<!tpu.dma_semaphore, #tpu.memory_space<semaphore_mem>>) src(%dma_wait3A_82 : memref<625x64xf32, #tpu.memory_space<hbm>>) dst(%dma_wait3A_80 : memref<625x64xf32, #tpu.memory_space<vmem_shared>>)
      tpu.yield
    }) : () -> ()
    %scan3A = arith.constant 0 : i32
    %scan3A_9 = arith.constant 0 : i32
    %scan3A_10 = arith.constant 80 : i32
    %scan3A_11 = arith.addi %scan3A_9, %scan3A_10 : i32
    %scan3A_12 = arith.constant 1 : i32
    scf.for %scan3A_75 = %scan3A_9 to %scan3A_11 step %scan3A_12  : i32 {
      %get3A = arith.constant 0 : i32
      %get3A_76 = tpu.memref_slice %arg6[%scan3A_75, %get3A] : memref<80x128xi32, #tpu.memory_space<vmem>> -> memref<1x128xi32, #tpu.memory_space<vmem>>
      %get3A_77 = tpu.memref_squeeze %get3A_76 : memref<1x128xi32, #tpu.memory_space<vmem>> -> memref<128xi32, #tpu.memory_space<vmem>>
      %get3A_78 = arith.constant 0 : index
      %get3A_79 = tpu.vector_load %get3A_77[%get3A_78] {strides = array<i32>} : memref<128xi32, #tpu.memory_space<vmem>>, vector<16xi32>,
      %get3A_80 = vector.shape_cast %get3A_79 : vector<16xi32> to vector<16xi32>
      %shift_right_logical3A = arith.constant 14 : i32
      %shift_right_logical3A_81 = vector.broadcast %shift_right_logical3A : i32 to vector<16xi32>
      %shift_right_logical3A_82 = arith.shrui %get3A_80, %shift_right_logical3A_81 : vector<16xi32>
      %swap3A = arith.constant 0 : i32
      %swap3A_83 = tpu.memref_slice %arg7[%scan3A_75, %swap3A] : memref<80x128xi32, #tpu.memory_space<vmem>> -> memref<1x128xi32, #tpu.memory_space<vmem>>
      %swap3A_84 = tpu.memref_squeeze %swap3A_83 : memref<1x128xi32, #tpu.memory_space<vmem>> -> memref<128xi32, #tpu.memory_space<vmem>>
      %swap3A_85 = arith.constant 0 : index
      %swap3A_86 = tpu.vector_load %swap3A_84[%swap3A_85] {strides = array<i32>} : memref<128xi32, #tpu.memory_space<vmem>>, vector<16xi32>,
      %swap3A_87 = vector.shape_cast %swap3A_86 : vector<16xi32> to vector<16xi32>
      %swap3A_88 = vector.shape_cast %shift_right_logical3A_82 : vector<16xi32> to vector<16xi32>
      tpu.vector_store %swap3A_84[%swap3A_85], %swap3A_88 {strides = array<i32>} : memref<128xi32, #tpu.memory_space<vmem>>, vector<16xi32>,
      %and3A = arith.constant 16383 : i32
      %and3A_89 = vector.broadcast %and3A : i32 to vector<16xi32>
      %and3A_90 = arith.andi %get3A_80, %and3A_89 : vector<16xi32>
      %swap3A_91 = arith.constant 0 : i32
      %swap3A_92 = tpu.memref_slice %arg6[%scan3A_75, %swap3A_91] : memref<80x128xi32, #tpu.memory_space<vmem>> -> memref<1x128xi32, #tpu.memory_space<vmem>>
      %swap3A_93 = tpu.memref_squeeze %swap3A_92 : memref<1x128xi32, #tpu.memory_space<vmem>> -> memref<128xi32, #tpu.memory_space<vmem>>
      %swap3A_94 = arith.constant 0 : index
      %swap3A_95 = tpu.vector_load %swap3A_93[%swap3A_94] {strides = array<i32>} : memref<128xi32, #tpu.memory_space<vmem>>, vector<16xi32>,
      %swap3A_96 = vector.shape_cast %swap3A_95 : vector<16xi32> to vector<16xi32>
      %swap3A_97 = vector.shape_cast %and3A_90 : vector<16xi32> to vector<16xi32>
      tpu.vector_store %swap3A_93[%swap3A_94], %swap3A_97 {strides = array<i32>} : memref<128xi32, #tpu.memory_space<vmem>>, vector<16xi32>,
      %get3A_98 = arith.constant 0 : i32
      %get3A_99 = tpu.memref_slice %arg6[%scan3A_75, %get3A_98] : memref<80x128xi32, #tpu.memory_space<vmem>> -> memref<1x128xi32, #tpu.memory_space<vmem>>
      %get3A_100 = tpu.memref_squeeze %get3A_99 : memref<1x128xi32, #tpu.memory_space<vmem>> -> memref<128xi32, #tpu.memory_space<vmem>>
      %get3A_101 = arith.constant 16 : index
      %get3A_102 = tpu.vector_load %get3A_100[%get3A_101] {strides = array<i32>} : memref<128xi32, #tpu.memory_space<vmem>>, vector<16xi32>,
      %get3A_103 = vector.shape_cast %get3A_102 : vector<16xi32> to vector<16xi32>
      %shift_right_logical3A_104 = arith.constant 14 : i32
      %shift_right_logical3A_105 = vector.broadcast %shift_right_logical3A_104 : i32 to vector<16xi32>
      %shift_right_logical3A_106 = arith.shrui %get3A_103, %shift_right_logical3A_105 : vector<16xi32>
      %swap3A_107 = arith.constant 0 : i32
      %swap3A_108 = tpu.memref_slice %arg7[%scan3A_75, %swap3A_107] : memref<80x128xi32, #tpu.memory_space<vmem>> -> memref<1x128xi32, #tpu.memory_space<vmem>>
      %swap3A_109 = tpu.memref_squeeze %swap3A_108 : memref<1x128xi32, #tpu.memory_space<vmem>> -> memref<128xi32, #tpu.memory_space<vmem>>
      %swap3A_110 = arith.constant 16 : index
      %swap3A_111 = tpu.vector_load %swap3A_109[%swap3A_110] {strides = array<i32>} : memref<128xi32, #tpu.memory_space<vmem>>, vector<16xi32>,
      %swap3A_112 = vector.shape_cast %swap3A_111 : vector<16xi32> to vector<16xi32>
      %swap3A_113 = vector.shape_cast %shift_right_logical3A_106 : vector<16xi32> to vector<16xi32>
      tpu.vector_store %swap3A_109[%swap3A_110], %swap3A_113 {strides = array<i32>} : memref<128xi32, #tpu.memory_space<vmem>>, vector<16xi32>,
      %and3A_114 = arith.constant 16383 : i32
      %and3A_115 = vector.broadcast %and3A_114 : i32 to vector<16xi32>
      %and3A_116 = arith.andi %get3A_103, %and3A_115 : vector<16xi32>
      %swap3A_117 = arith.constant 0 : i32
      %swap3A_118 = tpu.memref_slice %arg6[%scan3A_75, %swap3A_117] : memref<80x128xi32, #tpu.memory_space<vmem>> -> memref<1x128xi32, #tpu.memory_space<vmem>>
      %swap3A_119 = tpu.memref_squeeze %swap3A_118 : memref<1x128xi32, #tpu.memory_space<vmem>> -> memref<128xi32, #tpu.memory_space<vmem>>
      %swap3A_120 = arith.constant 16 : index
      %swap3A_121 = tpu.vector_load %swap3A_119[%swap3A_120] {strides = array<i32>} : memref<128xi32, #tpu.memory_space<vmem>>, vector<16xi32>,
      %swap3A_122 = vector.shape_cast %swap3A_121 : vector<16xi32> to vector<16xi32>
      %swap3A_123 = vector.shape_cast %and3A_116 : vector<16xi32> to vector<16xi32>
      tpu.vector_store %swap3A_119[%swap3A_120], %swap3A_123 {strides = array<i32>} : memref<128xi32, #tpu.memory_space<vmem>>, vector<16xi32>,
      %get3A_124 = arith.constant 0 : i32
      %get3A_125 = tpu.memref_slice %arg6[%scan3A_75, %get3A_124] : memref<80x128xi32, #tpu.memory_space<vmem>> -> memref<1x128xi32, #tpu.memory_space<vmem>>
      %get3A_126 = tpu.memref_squeeze %get3A_125 : memref<1x128xi32, #tpu.memory_space<vmem>> -> memref<128xi32, #tpu.memory_space<vmem>>
      %get3A_127 = arith.constant 32 : index
      %get3A_128 = tpu.vector_load %get3A_126[%get3A_127] {strides = array<i32>} : memref<128xi32, #tpu.memory_space<vmem>>, vector<16xi32>,
      %get3A_129 = vector.shape_cast %get3A_128 : vector<16xi32> to vector<16xi32>
      %shift_right_logical3A_130 = arith.constant 14 : i32
      %shift_right_logical3A_131 = vector.broadcast %shift_right_logical3A_130 : i32 to vector<16xi32>
      %shift_right_logical3A_132 = arith.shrui %get3A_129, %shift_right_logical3A_131 : vector<16xi32>
      %swap3A_133 = arith.constant 0 : i32
      %swap3A_134 = tpu.memref_slice %arg7[%scan3A_75, %swap3A_133] : memref<80x128xi32, #tpu.memory_space<vmem>> -> memref<1x128xi32, #tpu.memory_space<vmem>>
      %swap3A_135 = tpu.memref_squeeze %swap3A_134 : memref<1x128xi32, #tpu.memory_space<vmem>> -> memref<128xi32, #tpu.memory_space<vmem>>
      %swap3A_136 = arith.constant 32 : index
      %swap3A_137 = tpu.vector_load %swap3A_135[%swap3A_136] {strides = array<i32>} : memref<128xi32, #tpu.memory_space<vmem>>, vector<16xi32>,
      %swap3A_138 = vector.shape_cast %swap3A_137 : vector<16xi32> to vector<16xi32>
      %swap3A_139 = vector.shape_cast %shift_right_logical3A_132 : vector<16xi32> to vector<16xi32>
      tpu.vector_store %swap3A_135[%swap3A_136], %swap3A_139 {strides = array<i32>} : memref<128xi32, #tpu.memory_space<vmem>>, vector<16xi32>,
      %and3A_140 = arith.constant 16383 : i32
      %and3A_141 = vector.broadcast %and3A_140 : i32 to vector<16xi32>
      %and3A_142 = arith.andi %get3A_129, %and3A_141 : vector<16xi32>
      %swap3A_143 = arith.constant 0 : i32
      %swap3A_144 = tpu.memref_slice %arg6[%scan3A_75, %swap3A_143] : memref<80x128xi32, #tpu.memory_space<vmem>> -> memref<1x128xi32, #tpu.memory_space<vmem>>
      %swap3A_145 = tpu.memref_squeeze %swap3A_144 : memref<1x128xi32, #tpu.memory_space<vmem>> -> memref<128xi32, #tpu.memory_space<vmem>>
      %swap3A_146 = arith.constant 32 : index
      %swap3A_147 = tpu.vector_load %swap3A_145[%swap3A_146] {strides = array<i32>} : memref<128xi32, #tpu.memory_space<vmem>>, vector<16xi32>,
      %swap3A_148 = vector.shape_cast %swap3A_147 : vector<16xi32> to vector<16xi32>
      %swap3A_149 = vector.shape_cast %and3A_142 : vector<16xi32> to vector<16xi32>
      tpu.vector_store %swap3A_145[%swap3A_146], %swap3A_149 {strides = array<i32>} : memref<128xi32, #tpu.memory_space<vmem>>, vector<16xi32>,
      %get3A_150 = arith.constant 0 : i32
      %get3A_151 = tpu.memref_slice %arg6[%scan3A_75, %get3A_150] : memref<80x128xi32, #tpu.memory_space<vmem>> -> memref<1x128xi32, #tpu.memory_space<vmem>>
      %get3A_152 = tpu.memref_squeeze %get3A_151 : memref<1x128xi32, #tpu.memory_space<vmem>> -> memref<128xi32, #tpu.memory_space<vmem>>
      %get3A_153 = arith.constant 48 : index
      %get3A_154 = tpu.vector_load %get3A_152[%get3A_153] {strides = array<i32>} : memref<128xi32, #tpu.memory_space<vmem>>, vector<16xi32>,
      %get3A_155 = vector.shape_cast %get3A_154 : vector<16xi32> to vector<16xi32>
      %shift_right_logical3A_156 = arith.constant 14 : i32
      %shift_right_logical3A_157 = vector.broadcast %shift_right_logical3A_156 : i32 to vector<16xi32>
      %shift_right_logical3A_158 = arith.shrui %get3A_155, %shift_right_logical3A_157 : vector<16xi32>
      %swap3A_159 = arith.constant 0 : i32
      %swap3A_160 = tpu.memref_slice %arg7[%scan3A_75, %swap3A_159] : memref<80x128xi32, #tpu.memory_space<vmem>> -> memref<1x128xi32, #tpu.memory_space<vmem>>
      %swap3A_161 = tpu.memref_squeeze %swap3A_160 : memref<1x128xi32, #tpu.memory_space<vmem>> -> memref<128xi32, #tpu.memory_space<vmem>>
      %swap3A_162 = arith.constant 48 : index
      %swap3A_163 = tpu.vector_load %swap3A_161[%swap3A_162] {strides = array<i32>} : memref<128xi32, #tpu.memory_space<vmem>>, vector<16xi32>,
      %swap3A_164 = vector.shape_cast %swap3A_163 : vector<16xi32> to vector<16xi32>
      %swap3A_165 = vector.shape_cast %shift_right_logical3A_158 : vector<16xi32> to vector<16xi32>
      tpu.vector_store %swap3A_161[%swap3A_162], %swap3A_165 {strides = array<i32>} : memref<128xi32, #tpu.memory_space<vmem>>, vector<16xi32>,
      %and3A_166 = arith.constant 16383 : i32
      %and3A_167 = vector.broadcast %and3A_166 : i32 to vector<16xi32>
      %and3A_168 = arith.andi %get3A_155, %and3A_167 : vector<16xi32>
      %swap3A_169 = arith.constant 0 : i32
      %swap3A_170 = tpu.memref_slice %arg6[%scan3A_75, %swap3A_169] : memref<80x128xi32, #tpu.memory_space<vmem>> -> memref<1x128xi32, #tpu.memory_space<vmem>>
      %swap3A_171 = tpu.memref_squeeze %swap3A_170 : memref<1x128xi32, #tpu.memory_space<vmem>> -> memref<128xi32, #tpu.memory_space<vmem>>
      %swap3A_172 = arith.constant 48 : index
      %swap3A_173 = tpu.vector_load %swap3A_171[%swap3A_172] {strides = array<i32>} : memref<128xi32, #tpu.memory_space<vmem>>, vector<16xi32>,
      %swap3A_174 = vector.shape_cast %swap3A_173 : vector<16xi32> to vector<16xi32>
      %swap3A_175 = vector.shape_cast %and3A_168 : vector<16xi32> to vector<16xi32>
      tpu.vector_store %swap3A_171[%swap3A_172], %swap3A_175 {strides = array<i32>} : memref<128xi32, #tpu.memory_space<vmem>>, vector<16xi32>,
      %get3A_176 = arith.constant 0 : i32
      %get3A_177 = tpu.memref_slice %arg6[%scan3A_75, %get3A_176] : memref<80x128xi32, #tpu.memory_space<vmem>> -> memref<1x128xi32, #tpu.memory_space<vmem>>
      %get3A_178 = tpu.memref_squeeze %get3A_177 : memref<1x128xi32, #tpu.memory_space<vmem>> -> memref<128xi32, #tpu.memory_space<vmem>>
      %get3A_179 = arith.constant 64 : index
      %get3A_180 = tpu.vector_load %get3A_178[%get3A_179] {strides = array<i32>} : memref<128xi32, #tpu.memory_space<vmem>>, vector<16xi32>,
      %get3A_181 = vector.shape_cast %get3A_180 : vector<16xi32> to vector<16xi32>
      %shift_right_logical3A_182 = arith.constant 14 : i32
      %shift_right_logical3A_183 = vector.broadcast %shift_right_logical3A_182 : i32 to vector<16xi32>
      %shift_right_logical3A_184 = arith.shrui %get3A_181, %shift_right_logical3A_183 : vector<16xi32>
      %swap3A_185 = arith.constant 0 : i32
      %swap3A_186 = tpu.memref_slice %arg7[%scan3A_75, %swap3A_185] : memref<80x128xi32, #tpu.memory_space<vmem>> -> memref<1x128xi32, #tpu.memory_space<vmem>>
      %swap3A_187 = tpu.memref_squeeze %swap3A_186 : memref<1x128xi32, #tpu.memory_space<vmem>> -> memref<128xi32, #tpu.memory_space<vmem>>
      %swap3A_188 = arith.constant 64 : index
      %swap3A_189 = tpu.vector_load %swap3A_187[%swap3A_188] {strides = array<i32>} : memref<128xi32, #tpu.memory_space<vmem>>, vector<16xi32>,
      %swap3A_190 = vector.shape_cast %swap3A_189 : vector<16xi32> to vector<16xi32>
      %swap3A_191 = vector.shape_cast %shift_right_logical3A_184 : vector<16xi32> to vector<16xi32>
      tpu.vector_store %swap3A_187[%swap3A_188], %swap3A_191 {strides = array<i32>} : memref<128xi32, #tpu.memory_space<vmem>>, vector<16xi32>,
      %and3A_192 = arith.constant 16383 : i32
      %and3A_193 = vector.broadcast %and3A_192 : i32 to vector<16xi32>
      %and3A_194 = arith.andi %get3A_181, %and3A_193 : vector<16xi32>
      %swap3A_195 = arith.constant 0 : i32
      %swap3A_196 = tpu.memref_slice %arg6[%scan3A_75, %swap3A_195] : memref<80x128xi32, #tpu.memory_space<vmem>> -> memref<1x128xi32, #tpu.memory_space<vmem>>
      %swap3A_197 = tpu.memref_squeeze %swap3A_196 : memref<1x128xi32, #tpu.memory_space<vmem>> -> memref<128xi32, #tpu.memory_space<vmem>>
      %swap3A_198 = arith.constant 64 : index
      %swap3A_199 = tpu.vector_load %swap3A_197[%swap3A_198] {strides = array<i32>} : memref<128xi32, #tpu.memory_space<vmem>>, vector<16xi32>,
      %swap3A_200 = vector.shape_cast %swap3A_199 : vector<16xi32> to vector<16xi32>
      %swap3A_201 = vector.shape_cast %and3A_194 : vector<16xi32> to vector<16xi32>
      tpu.vector_store %swap3A_197[%swap3A_198], %swap3A_201 {strides = array<i32>} : memref<128xi32, #tpu.memory_space<vmem>>, vector<16xi32>,
      %get3A_202 = arith.constant 0 : i32
      %get3A_203 = tpu.memref_slice %arg6[%scan3A_75, %get3A_202] : memref<80x128xi32, #tpu.memory_space<vmem>> -> memref<1x128xi32, #tpu.memory_space<vmem>>
      %get3A_204 = tpu.memref_squeeze %get3A_203 : memref<1x128xi32, #tpu.memory_space<vmem>> -> memref<128xi32, #tpu.memory_space<vmem>>
      %get3A_205 = arith.constant 80 : index
      %get3A_206 = tpu.vector_load %get3A_204[%get3A_205] {strides = array<i32>} : memref<128xi32, #tpu.memory_space<vmem>>, vector<16xi32>,
      %get3A_207 = vector.shape_cast %get3A_206 : vector<16xi32> to vector<16xi32>
      %shift_right_logical3A_208 = arith.constant 14 : i32
      %shift_right_logical3A_209 = vector.broadcast %shift_right_logical3A_208 : i32 to vector<16xi32>
      %shift_right_logical3A_210 = arith.shrui %get3A_207, %shift_right_logical3A_209 : vector<16xi32>
      %swap3A_211 = arith.constant 0 : i32
      %swap3A_212 = tpu.memref_slice %arg7[%scan3A_75, %swap3A_211] : memref<80x128xi32, #tpu.memory_space<vmem>> -> memref<1x128xi32, #tpu.memory_space<vmem>>
      %swap3A_213 = tpu.memref_squeeze %swap3A_212 : memref<1x128xi32, #tpu.memory_space<vmem>> -> memref<128xi32, #tpu.memory_space<vmem>>
      %swap3A_214 = arith.constant 80 : index
      %swap3A_215 = tpu.vector_load %swap3A_213[%swap3A_214] {strides = array<i32>} : memref<128xi32, #tpu.memory_space<vmem>>, vector<16xi32>,
      %swap3A_216 = vector.shape_cast %swap3A_215 : vector<16xi32> to vector<16xi32>
      %swap3A_217 = vector.shape_cast %shift_right_logical3A_210 : vector<16xi32> to vector<16xi32>
      tpu.vector_store %swap3A_213[%swap3A_214], %swap3A_217 {strides = array<i32>} : memref<128xi32, #tpu.memory_space<vmem>>, vector<16xi32>,
      %and3A_218 = arith.constant 16383 : i32
      %and3A_219 = vector.broadcast %and3A_218 : i32 to vector<16xi32>
      %and3A_220 = arith.andi %get3A_207, %and3A_219 : vector<16xi32>
      %swap3A_221 = arith.constant 0 : i32
      %swap3A_222 = tpu.memref_slice %arg6[%scan3A_75, %swap3A_221] : memref<80x128xi32, #tpu.memory_space<vmem>> -> memref<1x128xi32, #tpu.memory_space<vmem>>
      %swap3A_223 = tpu.memref_squeeze %swap3A_222 : memref<1x128xi32, #tpu.memory_space<vmem>> -> memref<128xi32, #tpu.memory_space<vmem>>
      %swap3A_224 = arith.constant 80 : index
      %swap3A_225 = tpu.vector_load %swap3A_223[%swap3A_224] {strides = array<i32>} : memref<128xi32, #tpu.memory_space<vmem>>, vector<16xi32>,
      %swap3A_226 = vector.shape_cast %swap3A_225 : vector<16xi32> to vector<16xi32>
      %swap3A_227 = vector.shape_cast %and3A_220 : vector<16xi32> to vector<16xi32>
      tpu.vector_store %swap3A_223[%swap3A_224], %swap3A_227 {strides = array<i32>} : memref<128xi32, #tpu.memory_space<vmem>>, vector<16xi32>,
      %get3A_228 = arith.constant 0 : i32
      %get3A_229 = tpu.memref_slice %arg6[%scan3A_75, %get3A_228] : memref<80x128xi32, #tpu.memory_space<vmem>> -> memref<1x128xi32, #tpu.memory_space<vmem>>
      %get3A_230 = tpu.memref_squeeze %get3A_229 : memref<1x128xi32, #tpu.memory_space<vmem>> -> memref<128xi32, #tpu.memory_space<vmem>>
      %get3A_231 = arith.constant 96 : index
      %get3A_232 = tpu.vector_load %get3A_230[%get3A_231] {strides = array<i32>} : memref<128xi32, #tpu.memory_space<vmem>>, vector<16xi32>,
      %get3A_233 = vector.shape_cast %get3A_232 : vector<16xi32> to vector<16xi32>
      %shift_right_logical3A_234 = arith.constant 14 : i32
      %shift_right_logical3A_235 = vector.broadcast %shift_right_logical3A_234 : i32 to vector<16xi32>
      %shift_right_logical3A_236 = arith.shrui %get3A_233, %shift_right_logical3A_235 : vector<16xi32>
      %swap3A_237 = arith.constant 0 : i32
      %swap3A_238 = tpu.memref_slice %arg7[%scan3A_75, %swap3A_237] : memref<80x128xi32, #tpu.memory_space<vmem>> -> memref<1x128xi32, #tpu.memory_space<vmem>>
      %swap3A_239 = tpu.memref_squeeze %swap3A_238 : memref<1x128xi32, #tpu.memory_space<vmem>> -> memref<128xi32, #tpu.memory_space<vmem>>
      %swap3A_240 = arith.constant 96 : index
      %swap3A_241 = tpu.vector_load %swap3A_239[%swap3A_240] {strides = array<i32>} : memref<128xi32, #tpu.memory_space<vmem>>, vector<16xi32>,
      %swap3A_242 = vector.shape_cast %swap3A_241 : vector<16xi32> to vector<16xi32>
      %swap3A_243 = vector.shape_cast %shift_right_logical3A_236 : vector<16xi32> to vector<16xi32>
      tpu.vector_store %swap3A_239[%swap3A_240], %swap3A_243 {strides = array<i32>} : memref<128xi32, #tpu.memory_space<vmem>>, vector<16xi32>,
      %and3A_244 = arith.constant 16383 : i32
      %and3A_245 = vector.broadcast %and3A_244 : i32 to vector<16xi32>
      %and3A_246 = arith.andi %get3A_233, %and3A_245 : vector<16xi32>
      %swap3A_247 = arith.constant 0 : i32
      %swap3A_248 = tpu.memref_slice %arg6[%scan3A_75, %swap3A_247] : memref<80x128xi32, #tpu.memory_space<vmem>> -> memref<1x128xi32, #tpu.memory_space<vmem>>
      %swap3A_249 = tpu.memref_squeeze %swap3A_248 : memref<1x128xi32, #tpu.memory_space<vmem>> -> memref<128xi32, #tpu.memory_space<vmem>>
      %swap3A_250 = arith.constant 96 : index
      %swap3A_251 = tpu.vector_load %swap3A_249[%swap3A_250] {strides = array<i32>} : memref<128xi32, #tpu.memory_space<vmem>>, vector<16xi32>,
      %swap3A_252 = vector.shape_cast %swap3A_251 : vector<16xi32> to vector<16xi32>
      %swap3A_253 = vector.shape_cast %and3A_246 : vector<16xi32> to vector<16xi32>
      tpu.vector_store %swap3A_249[%swap3A_250], %swap3A_253 {strides = array<i32>} : memref<128xi32, #tpu.memory_space<vmem>>, vector<16xi32>,
      %get3A_254 = arith.constant 0 : i32
      %get3A_255 = tpu.memref_slice %arg6[%scan3A_75, %get3A_254] : memref<80x128xi32, #tpu.memory_space<vmem>> -> memref<1x128xi32, #tpu.memory_space<vmem>>
      %get3A_256 = tpu.memref_squeeze %get3A_255 : memref<1x128xi32, #tpu.memory_space<vmem>> -> memref<128xi32, #tpu.memory_space<vmem>>
      %get3A_257 = arith.constant 112 : index
      %get3A_258 = tpu.vector_load %get3A_256[%get3A_257] {strides = array<i32>} : memref<128xi32, #tpu.memory_space<vmem>>, vector<16xi32>,
      %get3A_259 = vector.shape_cast %get3A_258 : vector<16xi32> to vector<16xi32>
      %shift_right_logical3A_260 = arith.constant 14 : i32
      %shift_right_logical3A_261 = vector.broadcast %shift_right_logical3A_260 : i32 to vector<16xi32>
      %shift_right_logical3A_262 = arith.shrui %get3A_259, %shift_right_logical3A_261 : vector<16xi32>
      %swap3A_263 = arith.constant 0 : i32
      %swap3A_264 = tpu.memref_slice %arg7[%scan3A_75, %swap3A_263] : memref<80x128xi32, #tpu.memory_space<vmem>> -> memref<1x128xi32, #tpu.memory_space<vmem>>
      %swap3A_265 = tpu.memref_squeeze %swap3A_264 : memref<1x128xi32, #tpu.memory_space<vmem>> -> memref<128xi32, #tpu.memory_space<vmem>>
      %swap3A_266 = arith.constant 112 : index
      %swap3A_267 = tpu.vector_load %swap3A_265[%swap3A_266] {strides = array<i32>} : memref<128xi32, #tpu.memory_space<vmem>>, vector<16xi32>,
      %swap3A_268 = vector.shape_cast %swap3A_267 : vector<16xi32> to vector<16xi32>
      %swap3A_269 = vector.shape_cast %shift_right_logical3A_262 : vector<16xi32> to vector<16xi32>
      tpu.vector_store %swap3A_265[%swap3A_266], %swap3A_269 {strides = array<i32>} : memref<128xi32, #tpu.memory_space<vmem>>, vector<16xi32>,
      %and3A_270 = arith.constant 16383 : i32
      %and3A_271 = vector.broadcast %and3A_270 : i32 to vector<16xi32>
      %and3A_272 = arith.andi %get3A_259, %and3A_271 : vector<16xi32>
      %swap3A_273 = arith.constant 0 : i32
      %swap3A_274 = tpu.memref_slice %arg6[%scan3A_75, %swap3A_273] : memref<80x128xi32, #tpu.memory_space<vmem>> -> memref<1x128xi32, #tpu.memory_space<vmem>>
      %swap3A_275 = tpu.memref_squeeze %swap3A_274 : memref<1x128xi32, #tpu.memory_space<vmem>> -> memref<128xi32, #tpu.memory_space<vmem>>
      %swap3A_276 = arith.constant 112 : index
      %swap3A_277 = tpu.vector_load %swap3A_275[%swap3A_276] {strides = array<i32>} : memref<128xi32, #tpu.memory_space<vmem>>, vector<16xi32>,
      %swap3A_278 = vector.shape_cast %swap3A_277 : vector<16xi32> to vector<16xi32>
      %swap3A_279 = vector.shape_cast %and3A_272 : vector<16xi32> to vector<16xi32>
      tpu.vector_store %swap3A_275[%swap3A_276], %swap3A_279 {strides = array<i32>} : memref<128xi32, #tpu.memory_space<vmem>>, vector<16xi32>,
    }
    %scan3A_13 = arith.constant 80 : i32
    %barrier3A = arith.constant 0 : index
    tpu.barrier barrier_id(%barrier3A)
    %dma_start3A = arith.constant 0 : i32
    %dma_start3A_14 = arith.constant 0 : i32
    %dma_start3A_15 = tpu.memref_slice %arg6[%dma_start3A, %dma_start3A_14] : memref<80x128xi32, #tpu.memory_space<vmem>> -> memref<1x128xi32, #tpu.memory_space<vmem>>
    %dma_start3A_16 = tpu.memref_squeeze %dma_start3A_15 : memref<1x128xi32, #tpu.memory_space<vmem>> -> memref<128xi32, #tpu.memory_space<vmem>>
    %dma_start3A_17 = arith.constant 0 : i32
    %dma_start3A_18 = arith.constant 0 : i32
    %dma_start3A_19 = tpu.memref_slice %arg11[%dma_start3A_17, %dma_start3A_18] : memref<10000x64xf32, #tpu.memory_space<vmem_shared>> -> memref<10000x64xf32, #tpu.memory_space<vmem_shared>>
    tpu.enqueue_indirect_dma source(%dma_start3A_19 : memref<10000x64xf32, #tpu.memory_space<vmem_shared>>) target(%arg8 : memref<128x64xf32, #tpu.memory_space<vmem>>) offsets(%dma_start3A_16 : memref<128xi32, #tpu.memory_space<vmem>>) semaphore(%arg12 : memref<!tpu.dma_semaphore, #tpu.memory_space<semaphore_mem>>)
    %dma_start3A_20 = arith.constant 1 : i32
    %dma_start3A_21 = arith.constant 0 : i32
    %dma_start3A_22 = tpu.memref_slice %arg6[%dma_start3A_20, %dma_start3A_21] : memref<80x128xi32, #tpu.memory_space<vmem>> -> memref<1x128xi32, #tpu.memory_space<vmem>>
    %dma_start3A_23 = tpu.memref_squeeze %dma_start3A_22 : memref<1x128xi32, #tpu.memory_space<vmem>> -> memref<128xi32, #tpu.memory_space<vmem>>
    %dma_start3A_24 = arith.constant 0 : i32
    %dma_start3A_25 = arith.constant 0 : i32
    %dma_start3A_26 = tpu.memref_slice %arg11[%dma_start3A_24, %dma_start3A_25] : memref<10000x64xf32, #tpu.memory_space<vmem_shared>> -> memref<10000x64xf32, #tpu.memory_space<vmem_shared>>
    tpu.enqueue_indirect_dma source(%dma_start3A_26 : memref<10000x64xf32, #tpu.memory_space<vmem_shared>>) target(%arg9 : memref<128x64xf32, #tpu.memory_space<vmem>>) offsets(%dma_start3A_23 : memref<128xi32, #tpu.memory_space<vmem>>) semaphore(%arg13 : memref<!tpu.dma_semaphore, #tpu.memory_space<semaphore_mem>>)
    %scan3A_27 = arith.constant 0 : i32
    %scan3A_28 = arith.constant 0 : i32
    %scan3A_29 = arith.constant 39 : i32
    %scan3A_30 = arith.addi %scan3A_28, %scan3A_29 : i32
    %scan3A_31 = arith.constant 1 : i32
    scf.for %scan3A_75 = %scan3A_28 to %scan3A_30 step %scan3A_31  : i32 {
      %mul3A_76 = arith.constant 2 : i32
      %mul3A_77 = arith.muli %mul3A_76, %scan3A_75 : i32
      %dma_wait3A_78 = arith.constant 0 : i32
      %dma_wait3A_79 = arith.constant 0 : i32
      %dma_wait3A_80 = tpu.memref_slice %arg4[%dma_wait3A_78, %dma_wait3A_79] : memref<640x64xf32, #tpu.memory_space<hbm>> -> memref<128x64xf32, #tpu.memory_space<hbm>>
      %dma_wait3A_81 = arith.constant 0 : i32
      %dma_wait3A_82 = arith.constant 0 : i32
      %dma_wait3A_83 = tpu.memref_slice %arg4[%dma_wait3A_81, %dma_wait3A_82] : memref<640x64xf32, #tpu.memory_space<hbm>> -> memref<128x64xf32, #tpu.memory_space<hbm>>
      tpu.wait_dma2 semaphore(%arg12 : memref<!tpu.dma_semaphore, #tpu.memory_space<semaphore_mem>>) src(%dma_wait3A_83 : memref<128x64xf32, #tpu.memory_space<hbm>>) dst(%arg8 : memref<128x64xf32, #tpu.memory_space<vmem>>)
      %dma_start3A_84 = arith.constant 0 : i32
      %dma_start3A_85 = tpu.memref_slice %arg7[%mul3A_77, %dma_start3A_84] : memref<80x128xi32, #tpu.memory_space<vmem>> -> memref<1x128xi32, #tpu.memory_space<vmem>>
      %dma_start3A_86 = tpu.memref_squeeze %dma_start3A_85 : memref<1x128xi32, #tpu.memory_space<vmem>> -> memref<128xi32, #tpu.memory_space<vmem>>
      %dma_start3A_87 = arith.constant 0 : i32
      %dma_start3A_88 = arith.constant 0 : i32
      %dma_start3A_89 = tpu.memref_slice %arg10[%dma_start3A_87, %dma_start3A_88] : memref<10240x64xf32, #tpu.memory_space<vmem_shared>> -> memref<10240x64xf32, #tpu.memory_space<vmem_shared>>
      tpu.enqueue_indirect_dma source(%arg8 : memref<128x64xf32, #tpu.memory_space<vmem>>) target(%dma_start3A_89 : memref<10240x64xf32, #tpu.memory_space<vmem_shared>>) offsets(%dma_start3A_86 : memref<128xi32, #tpu.memory_space<vmem>>) semaphore(%arg14 : memref<!tpu.dma_semaphore, #tpu.memory_space<semaphore_mem>>) {add = true}
      %dma_wait3A_90 = arith.constant 0 : i32
      %dma_wait3A_91 = arith.constant 0 : i32
      %dma_wait3A_92 = tpu.memref_slice %arg4[%dma_wait3A_90, %dma_wait3A_91] : memref<640x64xf32, #tpu.memory_space<hbm>> -> memref<128x64xf32, #tpu.memory_space<hbm>>
      %dma_wait3A_93 = arith.constant 0 : i32
      %dma_wait3A_94 = arith.constant 0 : i32
      %dma_wait3A_95 = tpu.memref_slice %arg4[%dma_wait3A_93, %dma_wait3A_94] : memref<640x64xf32, #tpu.memory_space<hbm>> -> memref<128x64xf32, #tpu.memory_space<hbm>>
      tpu.wait_dma2 semaphore(%arg13 : memref<!tpu.dma_semaphore, #tpu.memory_space<semaphore_mem>>) src(%dma_wait3A_95 : memref<128x64xf32, #tpu.memory_space<hbm>>) dst(%arg9 : memref<128x64xf32, #tpu.memory_space<vmem>>)
      %add3A_96 = arith.constant 1 : i32
      %add3A_97 = arith.addi %mul3A_77, %add3A_96 : i32
      %dma_start3A_98 = arith.constant 0 : i32
      %dma_start3A_99 = tpu.memref_slice %arg7[%add3A_97, %dma_start3A_98] : memref<80x128xi32, #tpu.memory_space<vmem>> -> memref<1x128xi32, #tpu.memory_space<vmem>>
      %dma_start3A_100 = tpu.memref_squeeze %dma_start3A_99 : memref<1x128xi32, #tpu.memory_space<vmem>> -> memref<128xi32, #tpu.memory_space<vmem>>
      %dma_start3A_101 = arith.constant 0 : i32
      %dma_start3A_102 = arith.constant 0 : i32
      %dma_start3A_103 = tpu.memref_slice %arg10[%dma_start3A_101, %dma_start3A_102] : memref<10240x64xf32, #tpu.memory_space<vmem_shared>> -> memref<10240x64xf32, #tpu.memory_space<vmem_shared>>
      tpu.enqueue_indirect_dma source(%arg9 : memref<128x64xf32, #tpu.memory_space<vmem>>) target(%dma_start3A_103 : memref<10240x64xf32, #tpu.memory_space<vmem_shared>>) offsets(%dma_start3A_100 : memref<128xi32, #tpu.memory_space<vmem>>) semaphore(%arg15 : memref<!tpu.dma_semaphore, #tpu.memory_space<semaphore_mem>>) {add = true}
      %dma_wait3A_104 = arith.constant 0 : i32
      %dma_wait3A_105 = arith.constant 0 : i32
      %dma_wait3A_106 = tpu.memref_slice %arg4[%dma_wait3A_104, %dma_wait3A_105] : memref<640x64xf32, #tpu.memory_space<hbm>> -> memref<128x64xf32, #tpu.memory_space<hbm>>
      %dma_wait3A_107 = arith.constant 0 : i32
      %dma_wait3A_108 = arith.constant 0 : i32
      %dma_wait3A_109 = tpu.memref_slice %arg4[%dma_wait3A_107, %dma_wait3A_108] : memref<640x64xf32, #tpu.memory_space<hbm>> -> memref<128x64xf32, #tpu.memory_space<hbm>>
      tpu.wait_dma2 semaphore(%arg14 : memref<!tpu.dma_semaphore, #tpu.memory_space<semaphore_mem>>) src(%dma_wait3A_109 : memref<128x64xf32, #tpu.memory_space<hbm>>) dst(%arg8 : memref<128x64xf32, #tpu.memory_space<vmem>>)
      %add3A_110 = arith.constant 2 : i32
      %add3A_111 = arith.addi %mul3A_77, %add3A_110 : i32
      %dma_start3A_112 = arith.constant 0 : i32
      %dma_start3A_113 = tpu.memref_slice %arg6[%add3A_111, %dma_start3A_112] : memref<80x128xi32, #tpu.memory_space<vmem>> -> memref<1x128xi32, #tpu.memory_space<vmem>>
      %dma_start3A_114 = tpu.memref_squeeze %dma_start3A_113 : memref<1x128xi32, #tpu.memory_space<vmem>> -> memref<128xi32, #tpu.memory_space<vmem>>
      %dma_start3A_115 = arith.constant 0 : i32
      %dma_start3A_116 = arith.constant 0 : i32
      %dma_start3A_117 = tpu.memref_slice %arg11[%dma_start3A_115, %dma_start3A_116] : memref<10000x64xf32, #tpu.memory_space<vmem_shared>> -> memref<10000x64xf32, #tpu.memory_space<vmem_shared>>
      tpu.enqueue_indirect_dma source(%dma_start3A_117 : memref<10000x64xf32, #tpu.memory_space<vmem_shared>>) target(%arg8 : memref<128x64xf32, #tpu.memory_space<vmem>>) offsets(%dma_start3A_114 : memref<128xi32, #tpu.memory_space<vmem>>) semaphore(%arg12 : memref<!tpu.dma_semaphore, #tpu.memory_space<semaphore_mem>>)
      %dma_wait3A_118 = arith.constant 0 : i32
      %dma_wait3A_119 = arith.constant 0 : i32
      %dma_wait3A_120 = tpu.memref_slice %arg4[%dma_wait3A_118, %dma_wait3A_119] : memref<640x64xf32, #tpu.memory_space<hbm>> -> memref<128x64xf32, #tpu.memory_space<hbm>>
      %dma_wait3A_121 = arith.constant 0 : i32
      %dma_wait3A_122 = arith.constant 0 : i32
      %dma_wait3A_123 = tpu.memref_slice %arg4[%dma_wait3A_121, %dma_wait3A_122] : memref<640x64xf32, #tpu.memory_space<hbm>> -> memref<128x64xf32, #tpu.memory_space<hbm>>
      tpu.wait_dma2 semaphore(%arg15 : memref<!tpu.dma_semaphore, #tpu.memory_space<semaphore_mem>>) src(%dma_wait3A_123 : memref<128x64xf32, #tpu.memory_space<hbm>>) dst(%arg9 : memref<128x64xf32, #tpu.memory_space<vmem>>)
      %add3A_124 = arith.constant 3 : i32
      %add3A_125 = arith.addi %mul3A_77, %add3A_124 : i32
      %dma_start3A_126 = arith.constant 0 : i32
      %dma_start3A_127 = tpu.memref_slice %arg6[%add3A_125, %dma_start3A_126] : memref<80x128xi32, #tpu.memory_space<vmem>> -> memref<1x128xi32, #tpu.memory_space<vmem>>
      %dma_start3A_128 = tpu.memref_squeeze %dma_start3A_127 : memref<1x128xi32, #tpu.memory_space<vmem>> -> memref<128xi32, #tpu.memory_space<vmem>>
      %dma_start3A_129 = arith.constant 0 : i32
      %dma_start3A_130 = arith.constant 0 : i32
      %dma_start3A_131 = tpu.memref_slice %arg11[%dma_start3A_129, %dma_start3A_130] : memref<10000x64xf32, #tpu.memory_space<vmem_shared>> -> memref<10000x64xf32, #tpu.memory_space<vmem_shared>>
      tpu.enqueue_indirect_dma source(%dma_start3A_131 : memref<10000x64xf32, #tpu.memory_space<vmem_shared>>) target(%arg9 : memref<128x64xf32, #tpu.memory_space<vmem>>) offsets(%dma_start3A_128 : memref<128xi32, #tpu.memory_space<vmem>>) semaphore(%arg13 : memref<!tpu.dma_semaphore, #tpu.memory_space<semaphore_mem>>)
    }
    %scan3A_32 = arith.constant 39 : i32
    %dma_wait3A = arith.constant 0 : i32
    %dma_wait3A_33 = arith.constant 0 : i32
    %dma_wait3A_34 = tpu.memref_slice %arg4[%dma_wait3A, %dma_wait3A_33] : memref<640x64xf32, #tpu.memory_space<hbm>> -> memref<128x64xf32, #tpu.memory_space<hbm>>
    %dma_wait3A_35 = arith.constant 0 : i32
    %dma_wait3A_36 = arith.constant 0 : i32
    %dma_wait3A_37 = tpu.memref_slice %arg4[%dma_wait3A_35, %dma_wait3A_36] : memref<640x64xf32, #tpu.memory_space<hbm>> -> memref<128x64xf32, #tpu.memory_space<hbm>>
    tpu.wait_dma2 semaphore(%arg12 : memref<!tpu.dma_semaphore, #tpu.memory_space<semaphore_mem>>) src(%dma_wait3A_37 : memref<128x64xf32, #tpu.memory_space<hbm>>) dst(%arg8 : memref<128x64xf32, #tpu.memory_space<vmem>>)
    %dma_start3A_38 = arith.constant 78 : i32
    %dma_start3A_39 = arith.constant 0 : i32
    %dma_start3A_40 = tpu.memref_slice %arg7[%dma_start3A_38, %dma_start3A_39] : memref<80x128xi32, #tpu.memory_space<vmem>> -> memref<1x128xi32, #tpu.memory_space<vmem>>
    %dma_start3A_41 = tpu.memref_squeeze %dma_start3A_40 : memref<1x128xi32, #tpu.memory_space<vmem>> -> memref<128xi32, #tpu.memory_space<vmem>>
    %dma_start3A_42 = arith.constant 0 : i32
    %dma_start3A_43 = arith.constant 0 : i32
    %dma_start3A_44 = tpu.memref_slice %arg10[%dma_start3A_42, %dma_start3A_43] : memref<10240x64xf32, #tpu.memory_space<vmem_shared>> -> memref<10240x64xf32, #tpu.memory_space<vmem_shared>>
    tpu.enqueue_indirect_dma source(%arg8 : memref<128x64xf32, #tpu.memory_space<vmem>>) target(%dma_start3A_44 : memref<10240x64xf32, #tpu.memory_space<vmem_shared>>) offsets(%dma_start3A_41 : memref<128xi32, #tpu.memory_space<vmem>>) semaphore(%arg14 : memref<!tpu.dma_semaphore, #tpu.memory_space<semaphore_mem>>) {add = true}
    %dma_wait3A_45 = arith.constant 0 : i32
    %dma_wait3A_46 = arith.constant 0 : i32
    %dma_wait3A_47 = tpu.memref_slice %arg4[%dma_wait3A_45, %dma_wait3A_46] : memref<640x64xf32, #tpu.memory_space<hbm>> -> memref<128x64xf32, #tpu.memory_space<hbm>>
    %dma_wait3A_48 = arith.constant 0 : i32
    %dma_wait3A_49 = arith.constant 0 : i32
    %dma_wait3A_50 = tpu.memref_slice %arg4[%dma_wait3A_48, %dma_wait3A_49] : memref<640x64xf32, #tpu.memory_space<hbm>> -> memref<128x64xf32, #tpu.memory_space<hbm>>
    tpu.wait_dma2 semaphore(%arg13 : memref<!tpu.dma_semaphore, #tpu.memory_space<semaphore_mem>>) src(%dma_wait3A_50 : memref<128x64xf32, #tpu.memory_space<hbm>>) dst(%arg9 : memref<128x64xf32, #tpu.memory_space<vmem>>)
    %dma_start3A_51 = arith.constant 79 : i32
    %dma_start3A_52 = arith.constant 0 : i32
    %dma_start3A_53 = tpu.memref_slice %arg7[%dma_start3A_51, %dma_start3A_52] : memref<80x128xi32, #tpu.memory_space<vmem>> -> memref<1x128xi32, #tpu.memory_space<vmem>>
    %dma_start3A_54 = tpu.memref_squeeze %dma_start3A_53 : memref<1x128xi32, #tpu.memory_space<vmem>> -> memref<128xi32, #tpu.memory_space<vmem>>
    %dma_start3A_55 = arith.constant 0 : i32
    %dma_start3A_56 = arith.constant 0 : i32
    %dma_start3A_57 = tpu.memref_slice %arg10[%dma_start3A_55, %dma_start3A_56] : memref<10240x64xf32, #tpu.memory_space<vmem_shared>> -> memref<10240x64xf32, #tpu.memory_space<vmem_shared>>
    tpu.enqueue_indirect_dma source(%arg9 : memref<128x64xf32, #tpu.memory_space<vmem>>) target(%dma_start3A_57 : memref<10240x64xf32, #tpu.memory_space<vmem_shared>>) offsets(%dma_start3A_54 : memref<128xi32, #tpu.memory_space<vmem>>) semaphore(%arg15 : memref<!tpu.dma_semaphore, #tpu.memory_space<semaphore_mem>>) {add = true}
    %dma_wait3A_58 = arith.constant 0 : i32
    %dma_wait3A_59 = arith.constant 0 : i32
    %dma_wait3A_60 = tpu.memref_slice %arg4[%dma_wait3A_58, %dma_wait3A_59] : memref<640x64xf32, #tpu.memory_space<hbm>> -> memref<128x64xf32, #tpu.memory_space<hbm>>
    %dma_wait3A_61 = arith.constant 0 : i32
    %dma_wait3A_62 = arith.constant 0 : i32
    %dma_wait3A_63 = tpu.memref_slice %arg4[%dma_wait3A_61, %dma_wait3A_62] : memref<640x64xf32, #tpu.memory_space<hbm>> -> memref<128x64xf32, #tpu.memory_space<hbm>>
    tpu.wait_dma2 semaphore(%arg14 : memref<!tpu.dma_semaphore, #tpu.memory_space<semaphore_mem>>) src(%dma_wait3A_63 : memref<128x64xf32, #tpu.memory_space<hbm>>) dst(%arg8 : memref<128x64xf32, #tpu.memory_space<vmem>>)
    %dma_wait3A_64 = arith.constant 0 : i32
    %dma_wait3A_65 = arith.constant 0 : i32
    %dma_wait3A_66 = tpu.memref_slice %arg4[%dma_wait3A_64, %dma_wait3A_65] : memref<640x64xf32, #tpu.memory_space<hbm>> -> memref<128x64xf32, #tpu.memory_space<hbm>>
    %dma_wait3A_67 = arith.constant 0 : i32
    %dma_wait3A_68 = arith.constant 0 : i32
    %dma_wait3A_69 = tpu.memref_slice %arg4[%dma_wait3A_67, %dma_wait3A_68] : memref<640x64xf32, #tpu.memory_space<hbm>> -> memref<128x64xf32, #tpu.memory_space<hbm>>
    tpu.wait_dma2 semaphore(%arg15 : memref<!tpu.dma_semaphore, #tpu.memory_space<semaphore_mem>>) src(%dma_wait3A_69 : memref<128x64xf32, #tpu.memory_space<hbm>>) dst(%arg9 : memref<128x64xf32, #tpu.memory_space<vmem>>)
    %barrier3A_70 = arith.constant 0 : index
    tpu.barrier barrier_id(%barrier3A_70)
    %mul3A_71 = arith.constant 625 : i32
    %mul3A_72 = arith.muli %arg1, %mul3A_71 : i32
    %mul3A_73 = arith.constant 625 : i32
    %mul3A_74 = arith.muli %arg1, %mul3A_73 : i32
    "tpu.region"() ({
      %run_scoped3A = tpu.sem_alloc : memref<!tpu.dma_semaphore, #tpu.memory_space<semaphore_mem>>
      %dma_start3A_75 = arith.constant 0 : i32
      %dma_start3A_76 = tpu.memref_slice %arg5[%arg0, %mul3A_74, %dma_start3A_75] : memref<2x10000x64xf32, #tpu.memory_space<hbm>> -> memref<1x625x64xf32, #tpu.memory_space<hbm>>
      %dma_start3A_77 = tpu.memref_squeeze %dma_start3A_76 : memref<1x625x64xf32, #tpu.memory_space<hbm>> -> memref<625x64xf32, #tpu.memory_space<hbm>>
      %dma_start3A_78 = arith.constant 0 : i32
      %dma_start3A_79 = tpu.memref_slice %arg10[%mul3A_72, %dma_start3A_78] : memref<10240x64xf32, #tpu.memory_space<vmem_shared>> -> memref<625x64xf32, #tpu.memory_space<vmem_shared>>
      tpu.enqueue_dma source(%dma_start3A_79 : memref<625x64xf32, #tpu.memory_space<vmem_shared>>) target(%dma_start3A_77 : memref<625x64xf32, #tpu.memory_space<hbm>>) target_semaphore(%run_scoped3A : memref<!tpu.dma_semaphore, #tpu.memory_space<semaphore_mem>>)
      %dma_wait3A_80 = arith.constant 0 : i32
      %dma_wait3A_81 = tpu.memref_slice %arg5[%arg0, %mul3A_74, %dma_wait3A_80] : memref<2x10000x64xf32, #tpu.memory_space<hbm>> -> memref<1x625x64xf32, #tpu.memory_space<hbm>>
      %dma_wait3A_82 = tpu.memref_squeeze %dma_wait3A_81 : memref<1x625x64xf32, #tpu.memory_space<hbm>> -> memref<625x64xf32, #tpu.memory_space<hbm>>
      %dma_wait3A_83 = arith.constant 0 : i32
      %dma_wait3A_84 = tpu.memref_slice %arg10[%mul3A_72, %dma_wait3A_83] : memref<10240x64xf32, #tpu.memory_space<vmem_shared>> -> memref<625x64xf32, #tpu.memory_space<vmem_shared>>
      tpu.wait_dma2 semaphore(%run_scoped3A : memref<!tpu.dma_semaphore, #tpu.memory_space<semaphore_mem>>) src(%dma_wait3A_84 : memref<625x64xf32, #tpu.memory_space<vmem_shared>>) dst(%dma_wait3A_82 : memref<625x64xf32, #tpu.memory_space<hbm>>)
      tpu.yield
    }) : () -> ()
    return
  }
}

#map = affine_map<(d0, d1) -> (0, 0)>
module attributes {stable_mosaic.version = 14 : i64} {
  func.func @_sc_degree(%arg0: i32, %arg1: i32, %arg2: memref<2560x128xi32, #tpu.memory_space<hbm>>, %arg3: memref<32x10240xf32, #tpu.memory_space<hbm>>, %arg4: memref<80x128xi32, #tpu.memory_space<vmem>>, %arg5: memref<10240xf32, #tpu.memory_space<vmem>>) attributes {dimension_semantics = [#tpu.dimension_semantics<core_parallel>, #tpu.dimension_semantics<subcore_parallel>], iteration_bounds = array<i64: 2, 16>, scalar_prefetch = 0 : i64, scratch_operands = 2 : i64, tpu.core_type = #tpu.core_type<sc_vector_subcore>, window_params = [{transform_indices = #map}, {transform_indices = #map}]} {
    %mul3A = arith.constant 16 : i32
    %mul3A_0 = arith.muli %arg0, %mul3A : i32
    %add3A = arith.addi %mul3A_0, %arg1 : i32
    %mul3A_1 = arith.constant 40 : i32
    %mul3A_2 = arith.muli %add3A, %mul3A_1 : i32
    %mul3A_3 = arith.constant 2 : i32
    %mul3A_4 = arith.muli %mul3A_2, %mul3A_3 : i32
    "tpu.region"() ({
      %run_scoped3A = tpu.sem_alloc : memref<!tpu.dma_semaphore, #tpu.memory_space<semaphore_mem>>
      %dma_start3A = arith.constant 0 : i32
      %dma_start3A_17 = tpu.memref_slice %arg2[%mul3A_4, %dma_start3A] : memref<2560x128xi32, #tpu.memory_space<hbm>> -> memref<80x128xi32, #tpu.memory_space<hbm>>
      %dma_start3A_18 = arith.constant 0 : i32
      %dma_start3A_19 = tpu.memref_slice %arg2[%mul3A_4, %dma_start3A_18] : memref<2560x128xi32, #tpu.memory_space<hbm>> -> memref<80x128xi32, #tpu.memory_space<hbm>>
      tpu.enqueue_dma source(%dma_start3A_19 : memref<80x128xi32, #tpu.memory_space<hbm>>) target(%arg4 : memref<80x128xi32, #tpu.memory_space<vmem>>) target_semaphore(%run_scoped3A : memref<!tpu.dma_semaphore, #tpu.memory_space<semaphore_mem>>)
      %dma_wait3A = arith.constant 0 : i32
      %dma_wait3A_20 = tpu.memref_slice %arg2[%mul3A_4, %dma_wait3A] : memref<2560x128xi32, #tpu.memory_space<hbm>> -> memref<80x128xi32, #tpu.memory_space<hbm>>
      %dma_wait3A_21 = arith.constant 0 : i32
      %dma_wait3A_22 = tpu.memref_slice %arg2[%mul3A_4, %dma_wait3A_21] : memref<2560x128xi32, #tpu.memory_space<hbm>> -> memref<80x128xi32, #tpu.memory_space<hbm>>
      tpu.wait_dma2 semaphore(%run_scoped3A : memref<!tpu.dma_semaphore, #tpu.memory_space<semaphore_mem>>) src(%dma_wait3A_22 : memref<80x128xi32, #tpu.memory_space<hbm>>) dst(%arg4 : memref<80x128xi32, #tpu.memory_space<vmem>>)
      tpu.yield
    }) : () -> ()
    %broadcast_in_dim3A = arith.constant 1.000000e+00 : f32
    %broadcast_in_dim3A_5 = vector.broadcast %broadcast_in_dim3A : f32 to vector<16xf32>
    %scan3A = arith.constant 0 : i32
    %scan3A_6 = arith.constant 0 : i32
    %scan3A_7 = arith.constant 640 : i32
    %scan3A_8 = arith.addi %scan3A_6, %scan3A_7 : i32
    %scan3A_9 = arith.constant 1 : i32
    scf.for %scan3A_17 = %scan3A_6 to %scan3A_8 step %scan3A_9  : i32 {
      %broadcast_in_dim3A_18 = arith.constant 0.000000e+00 : f32
      %broadcast_in_dim3A_19 = vector.broadcast %broadcast_in_dim3A_18 : f32 to vector<16xf32>
      %mul3A_20 = arith.constant 16 : i32
      %mul3A_21 = arith.muli %scan3A_17, %mul3A_20 : i32
      %swap3A = arith.index_cast %mul3A_21 : i32 to index
      %swap3A_22 = tpu.vector_load %arg5[%swap3A] {strides = array<i32>} : memref<10240xf32, #tpu.memory_space<vmem>>, vector<16xf32>,
      tpu.vector_store %arg5[%swap3A], %broadcast_in_dim3A_19 {strides = array<i32>} : memref<10240xf32, #tpu.memory_space<vmem>>, vector<16xf32>,
    }
    %scan3A_10 = arith.constant 640 : i32
    %scan3A_11 = arith.constant 0 : i32
    %scan3A_12 = arith.constant 0 : i32
    %scan3A_13 = arith.constant 80 : i32
    %scan3A_14 = arith.addi %scan3A_12, %scan3A_13 : i32
    %scan3A_15 = arith.constant 1 : i32
    scf.for %scan3A_17 = %scan3A_12 to %scan3A_14 step %scan3A_15  : i32 {
      %get3A = arith.index_cast %scan3A_17 : i32 to index
      %get3A_18 = arith.constant 0 : index
      %get3A_19 = tpu.vector_load %arg4[%get3A, %get3A_18] {strides = array<i32>} : memref<80x128xi32, #tpu.memory_space<vmem>>, vector<16xi32>,
      tpu.vector_store_idx %arg5[%get3A_19], %broadcast_in_dim3A_5 {add = true} : memref<10240xf32, #tpu.memory_space<vmem>>[vector<16xi32>], vector<16xf32>,
      %get3A_20 = arith.index_cast %scan3A_17 : i32 to index
      %get3A_21 = arith.constant 16 : index
      %get3A_22 = tpu.vector_load %arg4[%get3A_20, %get3A_21] {strides = array<i32>} : memref<80x128xi32, #tpu.memory_space<vmem>>, vector<16xi32>,
      tpu.vector_store_idx %arg5[%get3A_22], %broadcast_in_dim3A_5 {add = true} : memref<10240xf32, #tpu.memory_space<vmem>>[vector<16xi32>], vector<16xf32>,
      %get3A_23 = arith.index_cast %scan3A_17 : i32 to index
      %get3A_24 = arith.constant 32 : index
      %get3A_25 = tpu.vector_load %arg4[%get3A_23, %get3A_24] {strides = array<i32>} : memref<80x128xi32, #tpu.memory_space<vmem>>, vector<16xi32>,
      tpu.vector_store_idx %arg5[%get3A_25], %broadcast_in_dim3A_5 {add = true} : memref<10240xf32, #tpu.memory_space<vmem>>[vector<16xi32>], vector<16xf32>,
      %get3A_26 = arith.index_cast %scan3A_17 : i32 to index
      %get3A_27 = arith.constant 48 : index
      %get3A_28 = tpu.vector_load %arg4[%get3A_26, %get3A_27] {strides = array<i32>} : memref<80x128xi32, #tpu.memory_space<vmem>>, vector<16xi32>,
      tpu.vector_store_idx %arg5[%get3A_28], %broadcast_in_dim3A_5 {add = true} : memref<10240xf32, #tpu.memory_space<vmem>>[vector<16xi32>], vector<16xf32>,
      %get3A_29 = arith.index_cast %scan3A_17 : i32 to index
      %get3A_30 = arith.constant 64 : index
      %get3A_31 = tpu.vector_load %arg4[%get3A_29, %get3A_30] {strides = array<i32>} : memref<80x128xi32, #tpu.memory_space<vmem>>, vector<16xi32>,
      tpu.vector_store_idx %arg5[%get3A_31], %broadcast_in_dim3A_5 {add = true} : memref<10240xf32, #tpu.memory_space<vmem>>[vector<16xi32>], vector<16xf32>,
      %get3A_32 = arith.index_cast %scan3A_17 : i32 to index
      %get3A_33 = arith.constant 80 : index
      %get3A_34 = tpu.vector_load %arg4[%get3A_32, %get3A_33] {strides = array<i32>} : memref<80x128xi32, #tpu.memory_space<vmem>>, vector<16xi32>,
      tpu.vector_store_idx %arg5[%get3A_34], %broadcast_in_dim3A_5 {add = true} : memref<10240xf32, #tpu.memory_space<vmem>>[vector<16xi32>], vector<16xf32>,
      %get3A_35 = arith.index_cast %scan3A_17 : i32 to index
      %get3A_36 = arith.constant 96 : index
      %get3A_37 = tpu.vector_load %arg4[%get3A_35, %get3A_36] {strides = array<i32>} : memref<80x128xi32, #tpu.memory_space<vmem>>, vector<16xi32>,
      tpu.vector_store_idx %arg5[%get3A_37], %broadcast_in_dim3A_5 {add = true} : memref<10240xf32, #tpu.memory_space<vmem>>[vector<16xi32>], vector<16xf32>,
      %get3A_38 = arith.index_cast %scan3A_17 : i32 to index
      %get3A_39 = arith.constant 112 : index
      %get3A_40 = tpu.vector_load %arg4[%get3A_38, %get3A_39] {strides = array<i32>} : memref<80x128xi32, #tpu.memory_space<vmem>>, vector<16xi32>,
      tpu.vector_store_idx %arg5[%get3A_40], %broadcast_in_dim3A_5 {add = true} : memref<10240xf32, #tpu.memory_space<vmem>>[vector<16xi32>], vector<16xf32>,
    }
    %scan3A_16 = arith.constant 80 : i32
    "tpu.region"() ({
      %run_scoped3A = tpu.sem_alloc : memref<!tpu.dma_semaphore, #tpu.memory_space<semaphore_mem>>
      %dma_start3A = arith.constant 0 : i32
      %dma_start3A_17 = tpu.memref_slice %arg3[%add3A, %dma_start3A] : memref<32x10240xf32, #tpu.memory_space<hbm>> -> memref<1x10240xf32, #tpu.memory_space<hbm>>
      %dma_start3A_18 = tpu.memref_squeeze %dma_start3A_17 : memref<1x10240xf32, #tpu.memory_space<hbm>> -> memref<10240xf32, #tpu.memory_space<hbm>>
      %dma_start3A_19 = arith.constant 0 : i32
      %dma_start3A_20 = tpu.memref_slice %arg3[%add3A, %dma_start3A_19] : memref<32x10240xf32, #tpu.memory_space<hbm>> -> memref<1x10240xf32, #tpu.memory_space<hbm>>
      %dma_start3A_21 = tpu.memref_squeeze %dma_start3A_20 : memref<1x10240xf32, #tpu.memory_space<hbm>> -> memref<10240xf32, #tpu.memory_space<hbm>>
      tpu.enqueue_dma source(%arg5 : memref<10240xf32, #tpu.memory_space<vmem>>) target(%dma_start3A_21 : memref<10240xf32, #tpu.memory_space<hbm>>) target_semaphore(%run_scoped3A : memref<!tpu.dma_semaphore, #tpu.memory_space<semaphore_mem>>)
      %dma_wait3A = arith.constant 0 : i32
      %dma_wait3A_22 = tpu.memref_slice %arg3[%add3A, %dma_wait3A] : memref<32x10240xf32, #tpu.memory_space<hbm>> -> memref<1x10240xf32, #tpu.memory_space<hbm>>
      %dma_wait3A_23 = tpu.memref_squeeze %dma_wait3A_22 : memref<1x10240xf32, #tpu.memory_space<hbm>> -> memref<10240xf32, #tpu.memory_space<hbm>>
      %dma_wait3A_24 = arith.constant 0 : i32
      %dma_wait3A_25 = tpu.memref_slice %arg3[%add3A, %dma_wait3A_24] : memref<32x10240xf32, #tpu.memory_space<hbm>> -> memref<1x10240xf32, #tpu.memory_space<hbm>>
      %dma_wait3A_26 = tpu.memref_squeeze %dma_wait3A_25 : memref<1x10240xf32, #tpu.memory_space<hbm>> -> memref<10240xf32, #tpu.memory_space<hbm>>
      tpu.wait_dma2 semaphore(%run_scoped3A : memref<!tpu.dma_semaphore, #tpu.memory_space<semaphore_mem>>) src(%arg5 : memref<10240xf32, #tpu.memory_space<vmem>>) dst(%dma_wait3A_26 : memref<10240xf32, #tpu.memory_space<hbm>>)
      tpu.yield
    }) : () -> ()
    return
  }
}

module attributes {stable_mosaic.version = 14 : i64} {
  func.func @_tc_mm_body(%arg0: memref<10000x128xf32, #tpu.memory_space<vmem>>, %arg1: memref<128x64xf32, #tpu.memory_space<vmem>>, %arg2: memref<10000x64xf32, #tpu.memory_space<vmem>>) attributes {dimension_semantics = [], scalar_prefetch = 0 : i64, scratch_operands = 0 : i64, tpu.core_type = #tpu.core_type<tc>} {
    %get3A = arith.constant 0 : index
    %get3A_0 = arith.constant 0 : index
    %get3A_1 = vector.load %arg0[%get3A, %get3A_0] : memref<10000x128xf32, #tpu.memory_space<vmem>>, vector<10000x128xf32>
    %get3A_2 = arith.constant 0 : index
    %get3A_3 = arith.constant 0 : index
    %get3A_4 = vector.load %arg1[%get3A_2, %get3A_3] : memref<128x64xf32, #tpu.memory_space<vmem>>, vector<128x64xf32>
    %dot_general3A = arith.constant dense<0.000000e+00> : vector<10000x64xf32>
    %dot_general3A_5 = tpu.matmul %get3A_1, %get3A_4, %dot_general3A {dimension_numbers = #tpu.dot_dimension_numbers<[1], [0], [0], [1], [0, 0, 1, 1], [], []>, transpose_lhs_hint = false} : vector<10000x128xf32>, vector<128x64xf32>, vector<10000x64xf32> -> vector<10000x64xf32>
    %swap3A = arith.constant 0 : index
    %swap3A_6 = arith.constant 0 : index
    %swap3A_7 = vector.load %arg2[%swap3A, %swap3A_6] : memref<10000x64xf32, #tpu.memory_space<vmem>>, vector<10000x64xf32>
    tpu.vector_store %arg2[%swap3A, %swap3A_6], %dot_general3A_5 {strides = array<i32>} : memref<10000x64xf32, #tpu.memory_space<vmem>>, vector<10000x64xf32>,
    return
  }
}

module attributes {stable_mosaic.version = 14 : i64} {
  func.func @_tc_norm_body(%arg0: memref<10240x32xf32, #tpu.memory_space<vmem>>, %arg1: memref<10000x64xf32, #tpu.memory_space<vmem>>, %arg2: memref<10000x64xf32, #tpu.memory_space<vmem>>, %arg3: memref<10000x1xf32, #tpu.memory_space<vmem>>) attributes {dimension_semantics = [], scalar_prefetch = 0 : i64, scratch_operands = 0 : i64, tpu.core_type = #tpu.core_type<tc>} {
    %get3A = arith.constant 0 : index
    %get3A_0 = arith.constant 0 : index
    %get3A_1 = vector.load %arg0[%get3A, %get3A_0] : memref<10240x32xf32, #tpu.memory_space<vmem>>, vector<10240x32xf32>
    %reduce_sum3A = arith.constant dense<0.000000e+00> : vector<10240xf32>
    %reduce_sum3A_2 = vector.multi_reduction <add>, %get3A_1, %reduce_sum3A [1] : vector<10240x32xf32> to vector<10240xf32>
    %broadcast_in_dim3A = vector.shape_cast %reduce_sum3A_2 : vector<10240xf32> to vector<10240x1xf32>
    %add3A = arith.constant 1.000000e+00 : f32
    %add3A_3 = vector.broadcast %add3A : f32 to vector<10240x1xf32>
    %add3A_4 = arith.addf %broadcast_in_dim3A, %add3A_3 : vector<10240x1xf32>
    %rsqrt3A = math.rsqrt %add3A_4 : vector<10240x1xf32>
    %slice3A = vector.extract_strided_slice %rsqrt3A {offsets = [0, 0], sizes = [10000, 1], strides = [1, 1]} : vector<10240x1xf32> to vector<10000x1xf32>
    %swap3A = arith.constant 0 : index
    %swap3A_5 = arith.constant 0 : index
    %swap3A_6 = vector.load %arg3[%swap3A, %swap3A_5] : memref<10000x1xf32, #tpu.memory_space<vmem>>, vector<10000x1xf32>
    tpu.vector_store %arg3[%swap3A, %swap3A_5], %slice3A {strides = array<i32>} : memref<10000x1xf32, #tpu.memory_space<vmem>>, vector<10000x1xf32>,
    %get3A_7 = arith.constant 0 : index
    %get3A_8 = arith.constant 0 : index
    %get3A_9 = vector.load %arg1[%get3A_7, %get3A_8] : memref<10000x64xf32, #tpu.memory_space<vmem>>, vector<10000x64xf32>
    %mul3A = vector.broadcast %slice3A : vector<10000x1xf32> to vector<10000x64xf32>
    %mul3A_10 = arith.mulf %get3A_9, %mul3A : vector<10000x64xf32>
    %swap3A_11 = arith.constant 0 : index
    %swap3A_12 = arith.constant 0 : index
    %swap3A_13 = vector.load %arg2[%swap3A_11, %swap3A_12] : memref<10000x64xf32, #tpu.memory_space<vmem>>, vector<10000x64xf32>
    tpu.vector_store %arg2[%swap3A_11, %swap3A_12], %mul3A_10 {strides = array<i32>} : memref<10000x64xf32, #tpu.memory_space<vmem>>, vector<10000x64xf32>,
    return
  }
}

module attributes {stable_mosaic.version = 14 : i64} {
  func.func @_tc_mid_body(%arg0: memref<2x10000x64xf32, #tpu.memory_space<vmem>>, %arg1: memref<10000x64xf32, #tpu.memory_space<vmem>>, %arg2: memref<10000x1xf32, #tpu.memory_space<vmem>>, %arg3: memref<1x64xf32, #tpu.memory_space<vmem>>, %arg4: memref<64x64xf32, #tpu.memory_space<vmem>>, %arg5: memref<10000x64xf32, #tpu.memory_space<vmem>>) attributes {dimension_semantics = [], scalar_prefetch = 0 : i64, scratch_operands = 0 : i64, tpu.core_type = #tpu.core_type<tc>} {
    %get3A = arith.constant 0 : index
    %get3A_0 = arith.constant 0 : index
    %get3A_1 = arith.constant 0 : index
    %get3A_2 = vector.load %arg0[%get3A, %get3A_0, %get3A_1] : memref<2x10000x64xf32, #tpu.memory_space<vmem>>, vector<1x10000x64xf32>
    %get3A_3 = vector.shape_cast %get3A_2 : vector<1x10000x64xf32> to vector<10000x64xf32>
    %get3A_4 = arith.constant 1 : index
    %get3A_5 = arith.constant 0 : index
    %get3A_6 = arith.constant 0 : index
    %get3A_7 = vector.load %arg0[%get3A_4, %get3A_5, %get3A_6] : memref<2x10000x64xf32, #tpu.memory_space<vmem>>, vector<1x10000x64xf32>
    %get3A_8 = vector.shape_cast %get3A_7 : vector<1x10000x64xf32> to vector<10000x64xf32>
    %add3A = arith.addf %get3A_3, %get3A_8 : vector<10000x64xf32>
    %get3A_9 = arith.constant 0 : index
    %get3A_10 = arith.constant 0 : index
    %get3A_11 = vector.load %arg2[%get3A_9, %get3A_10] : memref<10000x1xf32, #tpu.memory_space<vmem>>, vector<10000x1xf32>
    %get3A_12 = arith.constant 0 : index
    %get3A_13 = arith.constant 0 : index
    %get3A_14 = vector.load %arg1[%get3A_12, %get3A_13] : memref<10000x64xf32, #tpu.memory_space<vmem>>, vector<10000x64xf32>
    %add3A_15 = arith.addf %add3A, %get3A_14 : vector<10000x64xf32>
    %mul3A = vector.broadcast %get3A_11 : vector<10000x1xf32> to vector<10000x64xf32>
    %mul3A_16 = arith.mulf %mul3A, %add3A_15 : vector<10000x64xf32>
    %get3A_17 = arith.constant 0 : index
    %get3A_18 = arith.constant 0 : index
    %get3A_19 = vector.load %arg3[%get3A_17, %get3A_18] : memref<1x64xf32, #tpu.memory_space<vmem>>, vector<1x64xf32>
    %add3A_20 = vector.broadcast %get3A_19 : vector<1x64xf32> to vector<10000x64xf32>
    %add3A_21 = arith.addf %mul3A_16, %add3A_20 : vector<10000x64xf32>
    %max3A = arith.constant 0.000000e+00 : f32
    %max3A_22 = vector.broadcast %max3A : f32 to vector<10000x64xf32>
    %max3A_23 = arith.maximumf %add3A_21, %max3A_22 : vector<10000x64xf32>
    %get3A_24 = arith.constant 0 : index
    %get3A_25 = arith.constant 0 : index
    %get3A_26 = vector.load %arg4[%get3A_24, %get3A_25] : memref<64x64xf32, #tpu.memory_space<vmem>>, vector<64x64xf32>
    %dot_general3A = arith.constant dense<0.000000e+00> : vector<10000x64xf32>
    %dot_general3A_27 = tpu.matmul %max3A_23, %get3A_26, %dot_general3A {dimension_numbers = #tpu.dot_dimension_numbers<[1], [0], [0], [1], [0, 0, 1, 1], [], []>, transpose_lhs_hint = false} : vector<10000x64xf32>, vector<64x64xf32>, vector<10000x64xf32> -> vector<10000x64xf32>
    %mul3A_28 = vector.broadcast %get3A_11 : vector<10000x1xf32> to vector<10000x64xf32>
    %mul3A_29 = arith.mulf %dot_general3A_27, %mul3A_28 : vector<10000x64xf32>
    %swap3A = arith.constant 0 : index
    %swap3A_30 = arith.constant 0 : index
    %swap3A_31 = vector.load %arg5[%swap3A, %swap3A_30] : memref<10000x64xf32, #tpu.memory_space<vmem>>, vector<10000x64xf32>
    tpu.vector_store %arg5[%swap3A, %swap3A_30], %mul3A_29 {strides = array<i32>} : memref<10000x64xf32, #tpu.memory_space<vmem>>, vector<10000x64xf32>,
    return
  }
}

module attributes {stable_mosaic.version = 14 : i64} {
  func.func @_tc_final_body(%arg0: memref<2x10000x64xf32, #tpu.memory_space<vmem>>, %arg1: memref<10000x64xf32, #tpu.memory_space<vmem>>, %arg2: memref<10000x1xf32, #tpu.memory_space<vmem>>, %arg3: memref<1x64xf32, #tpu.memory_space<vmem>>, %arg4: memref<10000x64xf32, #tpu.memory_space<vmem>>) attributes {dimension_semantics = [], scalar_prefetch = 0 : i64, scratch_operands = 0 : i64, tpu.core_type = #tpu.core_type<tc>} {
    %get3A = arith.constant 0 : index
    %get3A_0 = arith.constant 0 : index
    %get3A_1 = arith.constant 0 : index
    %get3A_2 = vector.load %arg0[%get3A, %get3A_0, %get3A_1] : memref<2x10000x64xf32, #tpu.memory_space<vmem>>, vector<1x10000x64xf32>
    %get3A_3 = vector.shape_cast %get3A_2 : vector<1x10000x64xf32> to vector<10000x64xf32>
    %get3A_4 = arith.constant 1 : index
    %get3A_5 = arith.constant 0 : index
    %get3A_6 = arith.constant 0 : index
    %get3A_7 = vector.load %arg0[%get3A_4, %get3A_5, %get3A_6] : memref<2x10000x64xf32, #tpu.memory_space<vmem>>, vector<1x10000x64xf32>
    %get3A_8 = vector.shape_cast %get3A_7 : vector<1x10000x64xf32> to vector<10000x64xf32>
    %add3A = arith.addf %get3A_3, %get3A_8 : vector<10000x64xf32>
    %get3A_9 = arith.constant 0 : index
    %get3A_10 = arith.constant 0 : index
    %get3A_11 = vector.load %arg2[%get3A_9, %get3A_10] : memref<10000x1xf32, #tpu.memory_space<vmem>>, vector<10000x1xf32>
    %get3A_12 = arith.constant 0 : index
    %get3A_13 = arith.constant 0 : index
    %get3A_14 = vector.load %arg1[%get3A_12, %get3A_13] : memref<10000x64xf32, #tpu.memory_space<vmem>>, vector<10000x64xf32>
    %add3A_15 = arith.addf %add3A, %get3A_14 : vector<10000x64xf32>
    %mul3A = vector.broadcast %get3A_11 : vector<10000x1xf32> to vector<10000x64xf32>
    %mul3A_16 = arith.mulf %mul3A, %add3A_15 : vector<10000x64xf32>
    %get3A_17 = arith.constant 0 : index
    %get3A_18 = arith.constant 0 : index
    %get3A_19 = vector.load %arg3[%get3A_17, %get3A_18] : memref<1x64xf32, #tpu.memory_space<vmem>>, vector<1x64xf32>
    %add3A_20 = vector.broadcast %get3A_19 : vector<1x64xf32> to vector<10000x64xf32>
    %add3A_21 = arith.addf %mul3A_16, %add3A_20 : vector<10000x64xf32>
    %swap3A = arith.constant 0 : index
    %swap3A_22 = arith.constant 0 : index
    %swap3A_23 = vector.load %arg4[%swap3A, %swap3A_22] : memref<10000x64xf32, #tpu.memory_space<vmem>>, vector<10000x64xf32>
    tpu.vector_store %arg4[%swap3A, %swap3A_22], %add3A_21 {strides = array<i32>} : memref<10000x64xf32, #tpu.memory_space<vmem>>, vector<10000x64xf32>,
    return
  }
}

</mosaic_0001>

<sc_bundles>
// kernel: kernel.12.cloned.1.call-start
scs
__scs_entry_jumppad:
0x0: {  	(pc) =	sbr.rel $0x88, $3  }
0x1: {  	(tag) =	ssettag $0x0;
	lr =	simm.s32 $0x1  }
0x2: {  	[smem:$0x3F9B] =	sst lr;
	_ =	strace $0xD0000000  }
0x3: {  	_ = 	snop  }
0x4: {  	_ = 	snop  }
0x5: {  	_ = 	snop  }
0x6: {  	_ = 	snop  }
0x7: {  	_ = 	snop  }
__scs_overlays_trampoline_lowered:
0x8: {  	[smem:$0x3FAA] =	sst s0  }
0x9: {  	[smem:$0x3FAB] =	sst s1  }
0xa: {  	[smem:$0x3FAC] =	sst s2  }
0xb: {  	[smem:$0x3FAD] =	sst s3  }
0xc: {  	[smem:$0x3FAE] =	sst s4  }
0xd: {  	[smem:$0x3FAF] =	sst s5  }
0xe: {  	[smem:$0x3FB0] =	sst s6  }
0xf: {  	[smem:$0x3FB1] =	sst s7  }
0x10: {  	[smem:$0x3FB2] =	sst s8  }
0x11: {  	[smem:$0x3FB3] =	sst s9;
	s0 =	simm.s32 @!p0 $0x0  }
0x12: {  	s1 =	sld [smem:$0x3F99];
	s0 =	simm.s32 @p0 $0x1  }
0x13: {  	[smem:$0x3FB4] =	sst s0;
	s0 =	simm.s32 @!p1 $0x0  }
0x14: {  	s2 =	sld [smem:$0x3F98];
	s0 =	simm.s32 @p1 $0x1  }
0x15: {  	[smem:$0x3FB5] =	sst s0;
	s0 =	simm.s32 @!p2 $0x0  }
0x16: {  	s3 =	sld [smem:$0x3FDB];
	s0 =	simm.s32 @p2 $0x1  }
0x17: {  	s4 =	simm.s32 $0x1BF5;
	[smem:$0x3FB7] =	sst s0  }
0x18: {  	s0 =	sld [smem:$0x3F9A];
	_ =	swait.ge [sflag:s4], $0x0  }
0x19: {  	s7 =	sld [smem:$0x3F9B]  }
0x1a: {  	s8 =	sadd.s32 $0xFFFFE003, lr  }
0x1b: {  	s9 =	sadd.s32 $0xFFFFFEF7, lr;
	s5 =	simm.s32 $0xFFFFFFFF;
	p2 =	slt.u32 s8, $0xFFFFF086  }
0x1c: {  	p1 =	slt.u32 s9, $0xF7A;
	s5 =	simm.s32 @!p2 $0x0  }
0x1d: {  	s5 =	simm.s32 @p1 $0x1;
	p0 =	seq.s32 s7, s2  }
0x1e: {  	s7 =	smul.u32 @!p0 $0xF7A, s2;
	p2 =	seq.s32 @!p0 s5, $0x0  }
0x1f: {  	s9 =	smul.u32 $0xF7A, s1;
	s8 =	simm.s32 @!p0 $0x1BF5;
	p2 =	por !p2, p0  }
0x20: {  	[sflag:s8] =	ssyncset.s32 @!p0 $0xFFFFF086;
	s6 =	sadd.s32 @!p0 s3, s7;
	s7 =	simm.s32 @!p0 $0x108  }
0x21: {  	s3 =	sadd.s32 s3, s9;
	s6 =	sadd.s32 @!p0 $0x88, s6;
	s7 =	simm.s32 @p2 $0x1082  }
0x22: {  	[simem:s7], [sflag:s8] =	dma.local @!p0 [hbm:s6], $0xF7A  }
0x23: {  	s9 =	sor.u32 $0xD0000000, s2;
	s6 =	simm.s32 $0x108;
	_ =	swait.ge @!p0 [sflag:s8], $0x0  }
0x24: {  	s3 =	sadd.s32 $0x88, s3;
	s6 =	simm.s32 @!p1 $0x1082;
	[sflag:s4] =	ssyncset.s32 $0xFFFFF086  }
0x25: {  	[simem:s6], [sflag:s4] =	dma.local [hbm:s3], $0xF7A  }
0x26: {  	[smem:$0x3F9B] =	sst s1;
	(tag) =	ssettag s2;
	_ =	strace s9  }
0x27: {  	s1 =	sld [smem:$0x3FAB]  }
0x28: {  	s2 =	sld [smem:$0x3FAC]  }
0x29: {  	s4 =	sld [smem:$0x3FAE]  }
0x2a: {  	p0 =	seq.s32 s5, $0x0;
	s5 =	sld [smem:$0x3FAF]  }
0x2b: {  	s6 =	sld [smem:$0x3FB0]  }
0x2c: {  	s7 =	sld [smem:$0x3FB1]  }
0x2d: {  	s3 =	simm.s32 $0x108;
	s8 =	sld [smem:$0x3FB2]  }
0x2e: {  	s3 =	simm.s32 @!p0 $0x1082;
	s9 =	sld [smem:$0x3FB3]  }
0x2f: {  	lr =	sadd.s32 s0, s3;
	s0 =	sld [smem:$0x3FAA]  }
0x30: {  	s3 =	sld [smem:$0x3FAD]  }
0x31: {  	[smem:$0x3FB6] =	sst s10  }
0x32: {  	s10 =	sld [smem:$0x3FB4];
	_ =	sdelay $0x3  }
0x33: {  	p0 =	seq.s32 s10, $0x1;
	s10 =	sld [smem:$0x3FB6];
	_ =	sdelay $0x3  }
0x34: {  	[smem:$0x3FB6] =	sst s10  }
0x35: {  	s10 =	sld [smem:$0x3FB5];
	_ =	sdelay $0x3  }
0x36: {  	p1 =	seq.s32 s10, $0x1;
	s10 =	sld [smem:$0x3FB6];
	_ =	sdelay $0x3  }
0x37: {  	[smem:$0x3FB6] =	sst s10  }
0x38: {  	s10 =	sld [smem:$0x3FB7]  }
0x39: {  	_ = 	snop;
	(pc) =	sbr.ind lr, $3  }
0x3a: {  	_ = 	snop  }
0x3b: {  	_ = 	snop  }
0x3c: {  	p2 =	seq.s32 s10, $0x1;
	s10 =	sld [smem:$0x3FB6]  }
0x3d: {  	_ =	shalt  }
0x3e: {  	_ =	shalt  }
0x3f: {  	_ =	shalt  }
0x40: {  	_ =	shalt  }
0x41: {  	_ =	shalt  }
0x42: {  	_ =	shalt  }
0x43: {  	_ =	shalt  }
0x44: {  	_ =	shalt  }
0x45: {  	_ =	shalt  }
0x46: {  	_ =	shalt  }
0x47: {  	_ =	shalt  }
0x48: {  	_ =	shalt  }
0x49: {  	_ =	shalt  }
0x4a: {  	_ =	shalt  }
0x4b: {  	_ =	shalt  }
0x4c: {  	_ =	shalt  }
0x4d: {  	_ =	shalt  }
0x4e: {  	_ =	shalt  }
0x4f: {  	_ =	shalt  }
0x50: {  	_ =	shalt  }
0x51: {  	_ =	shalt  }
0x52: {  	_ =	shalt  }
0x53: {  	_ =	shalt  }
0x54: {  	_ =	shalt  }
0x55: {  	_ =	shalt  }
0x56: {  	_ =	shalt  }
0x57: {  	_ =	shalt  }
0x58: {  	_ =	shalt  }
0x59: {  	_ =	shalt  }
0x5a: {  	_ =	shalt  }
0x5b: {  	_ =	shalt  }
0x5c: {  	_ =	shalt  }
0x5d: {  	_ =	shalt  }
0x5e: {  	_ =	shalt  }
0x5f: {  	_ =	shalt  }
0x60: {  	_ =	shalt  }
0x61: {  	_ =	shalt  }
0x62: {  	_ =	shalt  }
0x63: {  	_ =	shalt  }
0x64: {  	_ =	shalt  }
0x65: {  	_ =	shalt  }
0x66: {  	_ =	shalt  }
0x67: {  	_ =	shalt  }
0x68: {  	_ =	shalt  }
0x69: {  	_ =	shalt  }
0x6a: {  	_ =	shalt  }
0x6b: {  	_ =	shalt  }
0x6c: {  	_ =	shalt  }
0x6d: {  	_ =	shalt  }
0x6e: {  	_ =	shalt  }
0x6f: {  	_ =	shalt  }
0x70: {  	_ =	shalt  }
0x71: {  	_ =	shalt  }
0x72: {  	_ =	shalt  }
0x73: {  	_ =	shalt  }
0x74: {  	_ =	shalt  }
0x75: {  	_ =	shalt  }
0x76: {  	_ =	shalt  }
0x77: {  	_ =	shalt  }
0x78: {  	_ =	shalt  }
0x79: {  	_ =	shalt  }
0x7a: {  	_ =	shalt  }
0x7b: {  	_ =	shalt  }
0x7c: {  	_ =	shalt  }
0x7d: {  	_ =	shalt  }
0x7e: {  	_ =	shalt  }
0x7f: {  	_ =	shalt  }
0x80: {  	_ =	shalt  }
0x81: {  	_ =	shalt  }
0x82: {  	_ =	shalt  }
0x83: {  	_ =	shalt  }
0x84: {  	_ =	shalt  }
0x85: {  	_ =	shalt  }
0x86: {  	_ =	shalt  }
0x87: {  	_ =	shalt  }
.Lfunc_end0:
.L_simem_size_0:
called_computation.1_lowered:
.L_overlay_start_0:
0x88: {  	s2 =	sld [smem:$0x3FD9]  }
0x89: {  	s3 =	sld [smem:$0x3FFE];
	_ =	sdelay $0x1  }
0x8a: {  	s1 =	srdreg.scid  }
0x8b: {  	s0 =	sand.u32 $0x1, s1  }
0x8c: {  	s17 =	sshll.u32 s0, $0xA;
	s2 =	sadd.s32 s3, s2  }
0x8d: {  	s2 =	sadd.s32 s2, s17  }
0x8e: {  	[smem:$0x3FC2] =	sst s2  }
0x8f: {  	_ = 	snop  }
0x90: {  	s2 =	sld [smem:$0x3FD0];
	(tm) =	ssettm $0x1  }
0x91: {  	s18 =	sld [smem:$0x3FFB];
	_ =	sdelay $0x3  }
0x92: {  	_ =	strace s18  }
0x93: {  	s3 =	sld [smem:$0x3FFC];
	_ =	sdelay $0x3  }
0x94: {  	_ =	strace s3  }
0x95: {  	s3 =	sld [smem:$0x3FFD];
	_ =	sdelay $0x3  }
0x96: {  	_ =	strace s3  }
0x97: {  	_ =	strace $0x8FFFFFFF  }
0x98: {  	s19 =	sld [smem:$0x3FDB];
	_ =	sdelay $0x1  }
0x99: {  	s4 =	simm.s32 $_scs_section_size  }
0x9a: {  	s5 =	simm.s32 $_size__tile_overlayer_lowered;
	s6 =	simm.s32 $_tile_overlayer_lowered  }
0x9b: {  	s22 =	simm.s32 $0x1BFF;
	s21 =	sshll.u32 s6, $0x1;
	s3 =	sadd.s32 s4, s19  }
0x9c: {  	s7 =	simm.s32 $0x0;
	s20 =	sshll.u32 s5, $0x1;
	s5 =	sadd.s32 s21, s3  }
0x9d: {  	[timem:s7], [sflag:s22] =	dma.local [hbm:s5], s20  }
0x9e: {  	_ =	swait.ge [sflag:s22], s20  }
0x9f: {  	s4 =	ssub.s32 $0x0, s20;
	[sflag:s22] =	ssyncset.done $0x0  }
0xa0: {  	[sflag:s22] =	ssyncadd.s32 s4;
	_ =	sdelay $0x1  }
0xa1: {  	s23 =	simm.s32 $0x1B8B  }
0xa2: {  	_ =	swait.ge [sflag:s23], $0x1  }
0xa3: {  	[sflag:s23] =	ssyncset.done $0x0  }
0xa4: {  	s25 =	simm.s32 $0x1B8E;
	s24 =	sld [smem:$0x3FFE];
	[sflag:s23] =	ssyncadd.s32 $0xFFFFFFFF  }
0xa5: {  	s26 =	simm.s32 $execute0_lowered;
	[smem:$0x3FD2] =	sst s25  }
0xa6: {  	s5 =	sshll.u32 s26, $0x1;
	_ =	strace $0x80000049;
	[dreg:$0x1] =	wrdreg $0xFFFFFFFF  }
0xa7: {  	s28 =	simm.s32 $_size_execute0_lowered;
	s3 =	sadd.s32 s3, s5;
	[dreg:$0x0] =	wrdreg $0x0  }
0xa8: {  	s5 =	sshll.u32 s28, $0x1;
	[dreg:$0x2] =	wrdreg s3  }
0xa9: {  	[dreg:$0x3] =	wrdreg s5  }
0xaa: {  	[dreg:$0x4] =	wrdreg $0xC0  }
0xab: {  	_ =	task [dreg:s7], $0x5FFFF  }
0xac: {  	[dreg:$0x1] =	wrdreg $0xFFFFFFFF  }
0xad: {  	[dreg:$0x0] =	wrdreg $0x60  }
0xae: {  	[dreg:$0x2] =	wrdreg s2  }
0xaf: {  	[dreg:$0x3] =	wrdreg s24  }
0xb0: {  	[dreg:$0x4] =	wrdreg $0x90000  }
0xb1: {  	[dreg:$0x5] =	wrdreg $0x130000  }
0xb2: {  	[dreg:$0x6] =	wrdreg $0x9  }
0xb3: {  	_ =	task.clear_ibuf [dreg:s7], $0x7FFFF;
	_ =	strace $0x90000049  }
0xb4: {  	s29 =	simm.s32 $0x9;
	_ =	strace $0x8000004B  }
0xb5: {  	_ =	swait.ge [sflag:s29], $0x1  }
0xb6: {  	[sflag:s29] =	ssyncadd.s32 $0xFFFFFFFF  }
0xb7: {  	_ =	strace $0x9000004B  }
0xb8: {  	_ =	sfence  }
0xb9: {  	s30 =	sld [smem:$0x0];
	_ =	sdelay $0x2  }
0xba: {  	s31 =	sshll.u32 s1, $0xD;
	s1 =	sshrl.u32 s1, $0x2  }
0xbb: {  	s3 =	sand.u32 $0x4000, s31;
	s1 =	sadd.s32 s1, s30  }
0xbc: {  	s0 =	sor.u32 s3, s0;
	s1 =	sshll.u32 s1, $0x11  }
0xbd: {  	s0 =	sor.u32 s1, s0  }
0xbe: {  	s0 =	sadd.s32 $0x8F2B, s0  }
0xbf: {  	[sflag:s0] =	ssyncadd.remote.s32 $0x1  }
0xc0: {  	_ =	sfence.sel $0xFFFF  }
0xc1: {  	[dreg:$0x0] =	wrdreg $0xFFFFFFFF;
	(pc) =	sbr.abs _section_cstart, $3  }
0xc2: {  	[dreg:$0x1] =	wrdreg $0xFFFFFFFF  }
0xc3: {  	_ =	task.clear_ibuf [dreg:s7], $0x2FFFF;
	_ =	strace $0x9FFFFFFF  }
0xc4: {  	(tm) =	ssettm $0x7FFFFFFF  }
0xc5: {  	_ =	shalt  }
tec
execute0_lowered:
.L_overlay_start_1:
0x0: {  	(tag) =	ssettag $0x1  }
0x1: {  	s7 =	rddreg [dreg:$0x0]  }
0x2: {  	s6 =	rddreg [dreg:$0x1]  }
0x3: {  	s2 =	rddreg [dreg:$0x2]  }
0x4: {  	s0 =	srdreg.scid;
	s3 =	rddreg [dreg:$0x3]  }
0x5: {  	s4 =	simm.s32 $0x0;
	s14 =	simm.s32 $0x80;
	s15 =	simm.s32 $0x5000  }
0x6: {  	s16 =	simm.s32 $0x7000;
	s17 =	simm.s32 $0x1;
	s18 =	simm.s32 $0x2  }
0x7: {  	s19 =	simm.s32 $0x3;
	s20 =	simm.s32 $0x4;
	s21 =	simm.s32 $0x4F00  }
0x8: {  	s22 =	simm.s32 $0x4F80;
	s5 =	sand.u32 $0x1, s0;
	s0 =	stileid.u32  }
0x9: {  	s24 =	simm.s32 $0x0;
	[smem:$0x7FF] =	sst s4;
	s9 =	smul.u32 $0x9C40, s0  }
0xa: {  	s1 =	sshll.u32 s5, $0x4;
	s10 =	smul.u32 $0x9C400, s5;
	s11 =	ssub.s32 $0x2, s5  }
0xb: {  	s12 =	smul.u32 $0x28000, s0;
	s5 =	sadd.s32 $0xB800, s6;
	s1 =	sor.u32 s0, s1  }
0xc: {  	s31 =	sshll.u32 s0, $0x6;
	s13 =	sshrl.u32 s11, $0x1;
	s8 =	smul.u32 $0x500, s1  }
0xd: {  	s1 =	rddreg [dreg:$0x4];
	_ =	strace $0x8000004A;
	s10 =	sadd.s32 s9, s10  }
0xe: {  	s11 =	ssub.s32 s11, s13;
	s12 =	sshrl.u32 s12, $0x2;
	s29 =	sshrl.u32 s9, $0x3  }
0xf: {  	s30 =	sadd.s32 s9, s3;
	s23 =	sadd.s32 s9, s2;
	s10 =	sshrl.u32 s10, $0x3  }
0x10: {  	s12 =	sadd.s32 s12, s2;
	s7 =	sadd.s32 s7, s29;
	s9 =	smax.u32 s11, $0x1  }
0x11: {  	s11 =	sor.u32 $0x1C05, s31;
	s13 =	sshrl.u32 s30, $0x3;
	s23 =	sshrl.u32 s23, $0x3  }
0x12: {  	s8 =	sadd.s32 s8, s6;
	s10 =	sadd.s32 s10, s6;
	s12 =	sshrl.u32 s12, $0x3  }
0x13: {  	s6 =	sadd.s32 $0x1800, s8;
	s8 =	sadd.s32 $0xCC00, s10;
	s10 =	simm.s32 $0x5  }
.LBB2_1:
0x14: {  	[tilespmem:s4], [sflag:$0x5] =	stream.linear.gather [hbm4b:s6+s4], $0x2800, $0x38;
	[tilespmem:$0x1CC40] =	vst v63  }
0x15: {  	_ =	swait.ge [sflag:s10], $0x2800  }
0x16: {  	[sflag:s10] =	ssyncset.done $0x0  }
0x17: {  	[sflag:s10] =	ssyncadd.s32 $0xFFFFD800  }
0x18: {  	[spmem:s12], [sflag:s11] =	dma.local [hbm:s5], $0x1400  }
0x19: {  	_ =	swait.ge [sflag:s10], $0x1400  }
0x1a: {  	[sflag:s10] =	ssyncset.done $0x0  }
0x1b: {  	[sflag:s10] =	ssyncadd.s32 $0xFFFFEC00  }
0x1c: {  	[spmem:s13], [sflag:s11] =	dma.local [hbm:s7], $0x1388  }
0x1d: {  	_ =	swait.ge [sflag:s10], $0x1388  }
0x1e: {  	[sflag:s10] =	ssyncset.done $0x0  }
0x1f: {  	s25 =	simm.s32 $0x0;
	[sflag:s10] =	ssyncadd.s32 $0xFFFFEC78  }
0x20: {  	v0 =	vld [tilespmem:s25+$0x0]  }
0x21: {  	v6 =	vld [tilespmem:s25+$0x10]  }
0x22: {  	v5 =	vld [tilespmem:s25+$0x20]  }
0x23: {  	v4 =	vld [tilespmem:s25+$0x30]  }
0x24: {  	v2 =	vld [tilespmem:s25+$0x40]  }
0x25: {  	v3 =	vld [tilespmem:s25+$0x50];
	v1 =	vand.u32 $0x3FFF, v0  }
0x26: {  	s26 =	simm.s32 $0x200;
	v0 =	vshrl.u32 v0, $0xE;
	v7 =	vand.u32 $0x3FFF, v6;
	[tilespmem:s25+$0x0] =	vst v1;
	v1 =	vshrl.u32 v6, $0xE;
	v6 =	vld [tilespmem:s25+$0x60]  }
.LBB2_2:
0x27: {  	p0 =	sne.s32 s26, $0x9E00;
	[tilespmem:s25+$0x10] =	vst v7;
	v7 =	vshrl.u32 v5, $0xE;
	v5 =	vand.u32 $0x3FFF, v5;
	v8 =	vld [tilespmem:s25+$0x70]  }
0x28: {  	[tilespmem:s25+$0x20] =	vst v5;
	v5 =	vshrl.u32 v4, $0xE;
	v4 =	vand.u32 $0x3FFF, v4  }
0x29: {  	[tilespmem:s25+$0x30] =	vst v4;
	v4 =	vshrl.u32 v2, $0xE;
	v2 =	vand.u32 $0x3FFF, v2  }
0x2a: {  	[tilespmem:s25+$0x40] =	vst v2;
	v2 =	vshrl.u32 v3, $0xE;
	v3 =	vand.u32 $0x3FFF, v3  }
0x2b: {  	[tilespmem:s25+$0x50] =	vst v3;
	v3 =	vshrl.u32 v6, $0xE;
	v6 =	vand.u32 $0x3FFF, v6  }
0x2c: {  	[tilespmem:s25+$0x60] =	vst v6;
	v6 =	vshrl.u32 v8, $0xE;
	v8 =	vand.u32 $0x3FFF, v8  }
0x2d: {  	[tilespmem:s25+$0x70] =	vst v8  }
0x2e: {  	[tilespmem:s25+$0x2800] =	vst v0  }
0x2f: {  	s28 =	sshra.s32 s26, $0x2;
	[tilespmem:s25+$0x2810] =	vst v1  }
0x30: {  	v1 =	vld [tilespmem:s28+$0x0];
	[tilespmem:s25+$0x2820] =	vst v7  }
0x31: {  	v7 =	vld [tilespmem:s28+$0x10];
	[tilespmem:s25+$0x2830] =	vst v5  }
.Ltmp0:
0x32: {  	v5 =	vld [tilespmem:s28+$0x20];
	[tilespmem:s25+$0x2840] =	vst v4;
	(pc) =	sbr.rel @p0 .LBB2_2-.Ltmp0, $4  }
0x33: {  	v4 =	vld [tilespmem:s28+$0x30];
	[tilespmem:s25+$0x2850] =	vst v2  }
0x34: {  	v2 =	vld [tilespmem:s28+$0x40];
	[tilespmem:s25+$0x2860] =	vst v3  }
0x35: {  	v0 =	vshrl.u32 v1, $0xE;
	v1 =	vand.u32 $0x3FFF, v1;
	v3 =	vld [tilespmem:s28+$0x50];
	[tilespmem:s25+$0x2870] =	vst v6;
	s25 =	smov.u32 s28  }
0x36: {  	s26 =	sadd.s32 $0x200, s26;
	[tilespmem:s25+$0x0] =	vst v1;
	v1 =	vshrl.u32 v7, $0xE;
	v7 =	vand.u32 $0x3FFF, v7;
	v6 =	vld [tilespmem:s25+$0x60]  }
0x37: {  	[tilespmem:s25+$0x10] =	vst v7  }
0x38: {  	[tilespmem:s25+$0x2800] =	vst v0  }
0x39: {  	v52 =	vand.u32 $0x3FFF, v5;
	[tilespmem:s25+$0x2810] =	vst v1  }
0x3a: {  	v58 =	vshrl.u32 v5, $0xE;
	[tilespmem:s25+$0x20] =	vst v52  }
0x3b: {  	v53 =	vand.u32 $0x3FFF, v4;
	[tilespmem:s25+$0x2820] =	vst v58  }
0x3c: {  	v59 =	vshrl.u32 v4, $0xE;
	[tilespmem:s25+$0x30] =	vst v53  }
0x3d: {  	v54 =	vand.u32 $0x3FFF, v2;
	[tilespmem:s25+$0x2830] =	vst v59  }
0x3e: {  	v8 =	vld [tilespmem:s25+$0x70];
	v60 =	vshrl.u32 v2, $0xE;
	[tilespmem:s25+$0x40] =	vst v54  }
0x3f: {  	v55 =	vand.u32 $0x3FFF, v3;
	[tilespmem:s25+$0x2840] =	vst v60  }
0x40: {  	v61 =	vshrl.u32 v3, $0xE;
	[tilespmem:s25+$0x50] =	vst v55  }
0x41: {  	v56 =	vand.u32 $0x3FFF, v6;
	[tilespmem:s25+$0x2850] =	vst v61  }
0x42: {  	v62 =	vshrl.u32 v6, $0xE;
	[tilespmem:s25+$0x60] =	vst v56  }
0x43: {  	v57 =	vand.u32 $0x3FFF, v8;
	[tilespmem:s25+$0x2860] =	vst v62  }
0x44: {  	v63 =	vshrl.u32 v8, $0xE;
	[tilespmem:s25+$0x70] =	vst v57  }
0x45: {  	[tilespmem:s25+$0x2870] =	vst v63  }
0x46: {  	s28 =	simm.s32 $0x0;
	[bflag:$0x0] =	sbarrier.arrive $0xFFFF  }
0x47: {  	[tilespmem:s15], [sflag:$0x1] =	stream.indirect.gather [spmem:s3], $0x40, s28, s14, $0xb8;
	[tilespmem:$0x1CC40] =	vst v63  }
0x48: {  	_ = 	snop  }
0x49: {  	[tilespmem:s16], [sflag:$0x2] =	stream.indirect.gather [spmem:s3], $0x40, s14, s14, $0xb8;
	[tilespmem:$0x1CC40] =	vst v63  }
0x4a: {  	_ =	swait.ge [sflag:s17], $0x2000  }
0x4b: {  	[sflag:s17] =	ssyncset.done $0x0  }
0x4c: {  	s29 =	simm.s32 $0x2800;
	[sflag:s17] =	ssyncadd.s32 $0xFFFFE000  }
0x4d: {  	[spmem:s2] =	stream.indirect.scatter.add.f32 [tilespmem:s15], [sflag:$0x3], $0x40, s29, s14, $0xb8;
	[tilespmem:$0x1CC40] =	vst v63  }
0x4e: {  	_ =	swait.ge [sflag:s18], $0x2000  }
0x4f: {  	[sflag:s18] =	ssyncset.done $0x0  }
0x50: {  	s30 =	simm.s32 $0x2880;
	[sflag:s18] =	ssyncadd.s32 $0xFFFFE000  }
0x51: {  	[spmem:s2] =	stream.indirect.scatter.add.f32 [tilespmem:s16], [sflag:$0x4], $0x40, s30, s14, $0xb8;
	[tilespmem:$0x1CC40] =	vst v63  }
0x52: {  	_ =	swait.ge [sflag:s19], $0x2000  }
0x53: {  	[sflag:s19] =	ssyncset.done $0x0  }
0x54: {  	s31 =	simm.s32 $0x100;
	[sflag:s19] =	ssyncadd.s32 $0xFFFFE000  }
0x55: {  	[tilespmem:s15], [sflag:$0x1] =	stream.indirect.gather [spmem:s3], $0x40, s31, s14, $0xb8;
	[tilespmem:$0x1CC40] =	vst v63  }
0x56: {  	_ =	swait.ge [sflag:s20], $0x2000  }
0x57: {  	[sflag:s20] =	ssyncset.done $0x0  }
0x58: {  	s26 =	simm.s32 $0x180;
	s25 =	simm.s32 $0x400;
	[sflag:s20] =	ssyncadd.s32 $0xFFFFE000  }
.LBB2_4:
0x59: {  	[tilespmem:s16], [sflag:$0x2] =	stream.indirect.gather [spmem:s3], $0x40, s26, s14, $0xb8;
	[tilespmem:$0x1CC40] =	vst v63  }
0x5a: {  	s26 =	smov.u32 s25  }
0x5b: {  	p0 =	sne.s32 s25, $0x9800;
	s25 =	sadd.s32 $0x400, s25;
	_ =	swait.ge [sflag:s17], $0x2000  }
0x5c: {  	s26 =	sshra.s32 s26, $0x2;
	[sflag:s17] =	ssyncset.done $0x0  }
0x5d: {  	s28 =	sadd.s32 $0x2800, s26;
	[sflag:s17] =	ssyncadd.s32 $0xFFFFE000  }
0x5e: {  	[spmem:s2] =	stream.indirect.scatter.add.f32 [tilespmem:s15], [sflag:$0x3], $0x40, s28, s14, $0xb8;
	[tilespmem:$0x1CC40] =	vst v63  }
0x5f: {  	_ =	swait.ge [sflag:s18], $0x2000  }
0x60: {  	[sflag:s18] =	ssyncset.done $0x0  }
0x61: {  	s28 =	sadd.s32 $0x2880, s26;
	[sflag:s18] =	ssyncadd.s32 $0xFFFFE000  }
0x62: {  	[spmem:s2] =	stream.indirect.scatter.add.f32 [tilespmem:s16], [sflag:$0x4], $0x40, s28, s14, $0xb8;
	[tilespmem:$0x1CC40] =	vst v63  }
0x63: {  	_ =	swait.ge [sflag:s19], $0x2000  }
0x64: {  	[sflag:s19] =	ssyncset.done $0x0  }
.Ltmp1:
0x65: {  	s28 =	sadd.s32 $0x100, s26;
	[sflag:s19] =	ssyncadd.s32 $0xFFFFE000;
	(pc) =	sbr.rel @p0 .LBB2_4-.Ltmp1, $4  }
0x66: {  	[tilespmem:s15], [sflag:$0x1] =	stream.indirect.gather [spmem:s3], $0x40, s28, s14, $0xb8;
	[tilespmem:$0x1CC40] =	vst v63  }
0x67: {  	_ =	swait.ge [sflag:s20], $0x2000  }
0x68: {  	[sflag:s20] =	ssyncset.done $0x0  }
0x69: {  	s26 =	sadd.s32 $0x180, s26;
	[sflag:s20] =	ssyncadd.s32 $0xFFFFE000  }
0x6a: {  	[tilespmem:s16], [sflag:$0x2] =	stream.indirect.gather [spmem:s3], $0x40, s26, s14, $0xb8;
	[tilespmem:$0x1CC40] =	vst v63  }
0x6b: {  	_ =	swait.ge [sflag:s17], $0x2000  }
0x6c: {  	[sflag:s17] =	ssyncset.done $0x0  }
0x6d: {  	[sflag:s17] =	ssyncadd.s32 $0xFFFFE000  }
0x6e: {  	[spmem:s2] =	stream.indirect.scatter.add.f32 [tilespmem:s15], [sflag:$0x3], $0x40, s21, s14, $0xb8;
	[tilespmem:$0x1CC40] =	vst v63  }
0x6f: {  	_ =	swait.ge [sflag:s18], $0x2000  }
0x70: {  	[sflag:s18] =	ssyncset.done $0x0  }
0x71: {  	[sflag:s18] =	ssyncadd.s32 $0xFFFFE000  }
0x72: {  	[spmem:s2] =	stream.indirect.scatter.add.f32 [tilespmem:s16], [sflag:$0x4], $0x40, s22, s14, $0xb8;
	[tilespmem:$0x1CC40] =	vst v63  }
0x73: {  	_ =	swait.ge [sflag:s19], $0x2000  }
0x74: {  	[sflag:s19] =	ssyncset.done $0x0  }
0x75: {  	[sflag:s19] =	ssyncadd.s32 $0xFFFFE000  }
0x76: {  	_ =	swait.ge [sflag:s20], $0x2000  }
0x77: {  	s24 =	sadd.s32 $0x1, s24;
	[sflag:s20] =	ssyncset.done $0x0  }
0x78: {  	p0 =	sne.s32 s24, s9;
	[sflag:s20] =	ssyncadd.s32 $0xFFFFE000  }
.Ltmp2:
0x79: {  	[bflag:$0x0] =	sbarrier.arrive $0xFFFF;
	(pc) =	sbr.rel @p0 .LBB2_1-.Ltmp2, $4  }
0x7a: {  	[hbm:s8], [sflag:s11] =	dma.local [spmem:s23], $0x1388  }
0x7b: {  	_ =	swait.ge [sflag:s10], $0x1388  }
0x7c: {  	[sflag:s10] =	ssyncset.done $0x0  }
0x7d: {  	[sflag:s10] =	ssyncadd.s32 $0xFFFFEC78  }
0x7e: {  	_ =	sfence.sel $0x180000  }
0x7f: {  	[bflag:$0x0] =	sbarrier.arrive $0xFFFF  }
0x80: {  	p0 =	sne.s32 s0, $0x0;
	_ =	strace $0x9000004A  }
0x81: {  	s0 =	sadd.s32 @!p0 $0x100000, s1;
	[bflag:$0x2] =	sbarrier.arrive $0xFFFF  }
0x82: {  	[sflag:s0] =	ssyncadd.tile.s32 @!p0 $0x1;
	_ =	shalt  }
.Lfunc_end2:
_tile_overlayer_lowered:
.L_overlay_start_2:
0x83: {  	(tag) =	ssettag $0x2  }
0x84: {  	s0 =	rddreg [dreg:$0x0];
	s2 =	stileid.u32  }
0x85: {  	s1 =	rddreg [dreg:$0x1];
	p0 =	sne.s32 s2, $0x0  }
0x86: {  	s3 =	rddreg [dreg:$0x2];
	[bflag:$0x3] =	sbarrier.arrive $0xFFFF;
	s2 =	simm.s32 @!p0 $0x1C05  }
0x87: {  	[timem:s3], [sflag:s2] =	dma.local @!p0 [hbm:s0], s1  }
0x88: {  	s0 =	simm.s32 @!p0 $0x5  }
0x89: {  	_ =	swait.ge @!p0 [sflag:s0], s1  }
0x8a: {  	s1 =	ssub.s32 @!p0 $0x0, s1;
	[sflag:s0] =	ssyncset.done @!p0 $0x0  }
0x8b: {  	[sflag:s0] =	ssyncadd.s32 @!p0 s1  }
0x8c: {  	[bflag:$0x3] =	sbarrier.arrive $0xFFFF  }
0x8d: {  	_ =	shalt  }

// kernel: kernel.15.cloned.1.call-start
scs
__scs_entry_jumppad:
0x0: {  	(pc) =	sbr.rel $0x88, $3  }
0x1: {  	(tag) =	ssettag $0x0;
	lr =	simm.s32 $0x1  }
0x2: {  	[smem:$0x3F9B] =	sst lr;
	_ =	strace $0xD0000000  }
0x3: {  	_ = 	snop  }
0x4: {  	_ = 	snop  }
0x5: {  	_ = 	snop  }
0x6: {  	_ = 	snop  }
0x7: {  	_ = 	snop  }
__scs_overlays_trampoline_lowered:
0x8: {  	[smem:$0x3FAA] =	sst s0  }
0x9: {  	[smem:$0x3FAB] =	sst s1  }
0xa: {  	[smem:$0x3FAC] =	sst s2  }
0xb: {  	[smem:$0x3FAD] =	sst s3  }
0xc: {  	[smem:$0x3FAE] =	sst s4  }
0xd: {  	[smem:$0x3FAF] =	sst s5  }
0xe: {  	[smem:$0x3FB0] =	sst s6  }
0xf: {  	[smem:$0x3FB1] =	sst s7  }
0x10: {  	[smem:$0x3FB2] =	sst s8  }
0x11: {  	[smem:$0x3FB3] =	sst s9;
	s0 =	simm.s32 @!p0 $0x0  }
0x12: {  	s1 =	sld [smem:$0x3F99];
	s0 =	simm.s32 @p0 $0x1  }
0x13: {  	[smem:$0x3FB4] =	sst s0;
	s0 =	simm.s32 @!p1 $0x0  }
0x14: {  	s2 =	sld [smem:$0x3F98];
	s0 =	simm.s32 @p1 $0x1  }
0x15: {  	[smem:$0x3FB5] =	sst s0;
	s0 =	simm.s32 @!p2 $0x0  }
0x16: {  	s3 =	sld [smem:$0x3FDB];
	s0 =	simm.s32 @p2 $0x1  }
0x17: {  	s4 =	simm.s32 $0x1BF5;
	[smem:$0x3FB7] =	sst s0  }
0x18: {  	s0 =	sld [smem:$0x3F9A];
	_ =	swait.ge [sflag:s4], $0x0  }
0x19: {  	s7 =	sld [smem:$0x3F9B]  }
0x1a: {  	s8 =	sadd.s32 $0xFFFFE003, lr  }
0x1b: {  	s9 =	sadd.s32 $0xFFFFFEF7, lr;
	s5 =	simm.s32 $0xFFFFFFFF;
	p2 =	slt.u32 s8, $0xFFFFF086  }
0x1c: {  	p1 =	slt.u32 s9, $0xF7A;
	s5 =	simm.s32 @!p2 $0x0  }
0x1d: {  	s5 =	simm.s32 @p1 $0x1;
	p0 =	seq.s32 s7, s2  }
0x1e: {  	s7 =	smul.u32 @!p0 $0xF7A, s2;
	p2 =	seq.s32 @!p0 s5, $0x0  }
0x1f: {  	s9 =	smul.u32 $0xF7A, s1;
	s8 =	simm.s32 @!p0 $0x1BF5;
	p2 =	por !p2, p0  }
0x20: {  	[sflag:s8] =	ssyncset.s32 @!p0 $0xFFFFF086;
	s6 =	sadd.s32 @!p0 s3, s7;
	s7 =	simm.s32 @!p0 $0x108  }
0x21: {  	s3 =	sadd.s32 s3, s9;
	s6 =	sadd.s32 @!p0 $0x88, s6;
	s7 =	simm.s32 @p2 $0x1082  }
0x22: {  	[simem:s7], [sflag:s8] =	dma.local @!p0 [hbm:s6], $0xF7A  }
0x23: {  	s9 =	sor.u32 $0xD0000000, s2;
	s6 =	simm.s32 $0x108;
	_ =	swait.ge @!p0 [sflag:s8], $0x0  }
0x24: {  	s3 =	sadd.s32 $0x88, s3;
	s6 =	simm.s32 @!p1 $0x1082;
	[sflag:s4] =	ssyncset.s32 $0xFFFFF086  }
0x25: {  	[simem:s6], [sflag:s4] =	dma.local [hbm:s3], $0xF7A  }
0x26: {  	[smem:$0x3F9B] =	sst s1;
	(tag) =	ssettag s2;
	_ =	strace s9  }
0x27: {  	s1 =	sld [smem:$0x3FAB]  }
0x28: {  	s2 =	sld [smem:$0x3FAC]  }
0x29: {  	s4 =	sld [smem:$0x3FAE]  }
0x2a: {  	p0 =	seq.s32 s5, $0x0;
	s5 =	sld [smem:$0x3FAF]  }
0x2b: {  	s6 =	sld [smem:$0x3FB0]  }
0x2c: {  	s7 =	sld [smem:$0x3FB1]  }
0x2d: {  	s3 =	simm.s32 $0x108;
	s8 =	sld [smem:$0x3FB2]  }
0x2e: {  	s3 =	simm.s32 @!p0 $0x1082;
	s9 =	sld [smem:$0x3FB3]  }
0x2f: {  	lr =	sadd.s32 s0, s3;
	s0 =	sld [smem:$0x3FAA]  }
0x30: {  	s3 =	sld [smem:$0x3FAD]  }
0x31: {  	[smem:$0x3FB6] =	sst s10  }
0x32: {  	s10 =	sld [smem:$0x3FB4];
	_ =	sdelay $0x3  }
0x33: {  	p0 =	seq.s32 s10, $0x1;
	s10 =	sld [smem:$0x3FB6];
	_ =	sdelay $0x3  }
0x34: {  	[smem:$0x3FB6] =	sst s10  }
0x35: {  	s10 =	sld [smem:$0x3FB5];
	_ =	sdelay $0x3  }
0x36: {  	p1 =	seq.s32 s10, $0x1;
	s10 =	sld [smem:$0x3FB6];
	_ =	sdelay $0x3  }
0x37: {  	[smem:$0x3FB6] =	sst s10  }
0x38: {  	s10 =	sld [smem:$0x3FB7]  }
0x39: {  	_ = 	snop;
	(pc) =	sbr.ind lr, $3  }
0x3a: {  	_ = 	snop  }
0x3b: {  	_ = 	snop  }
0x3c: {  	p2 =	seq.s32 s10, $0x1;
	s10 =	sld [smem:$0x3FB6]  }
0x3d: {  	_ =	shalt  }
0x3e: {  	_ =	shalt  }
0x3f: {  	_ =	shalt  }
0x40: {  	_ =	shalt  }
0x41: {  	_ =	shalt  }
0x42: {  	_ =	shalt  }
0x43: {  	_ =	shalt  }
0x44: {  	_ =	shalt  }
0x45: {  	_ =	shalt  }
0x46: {  	_ =	shalt  }
0x47: {  	_ =	shalt  }
0x48: {  	_ =	shalt  }
0x49: {  	_ =	shalt  }
0x4a: {  	_ =	shalt  }
0x4b: {  	_ =	shalt  }
0x4c: {  	_ =	shalt  }
0x4d: {  	_ =	shalt  }
0x4e: {  	_ =	shalt  }
0x4f: {  	_ =	shalt  }
0x50: {  	_ =	shalt  }
0x51: {  	_ =	shalt  }
0x52: {  	_ =	shalt  }
0x53: {  	_ =	shalt  }
0x54: {  	_ =	shalt  }
0x55: {  	_ =	shalt  }
0x56: {  	_ =	shalt  }
0x57: {  	_ =	shalt  }
0x58: {  	_ =	shalt  }
0x59: {  	_ =	shalt  }
0x5a: {  	_ =	shalt  }
0x5b: {  	_ =	shalt  }
0x5c: {  	_ =	shalt  }
0x5d: {  	_ =	shalt  }
0x5e: {  	_ =	shalt  }
0x5f: {  	_ =	shalt  }
0x60: {  	_ =	shalt  }
0x61: {  	_ =	shalt  }
0x62: {  	_ =	shalt  }
0x63: {  	_ =	shalt  }
0x64: {  	_ =	shalt  }
0x65: {  	_ =	shalt  }
0x66: {  	_ =	shalt  }
0x67: {  	_ =	shalt  }
0x68: {  	_ =	shalt  }
0x69: {  	_ =	shalt  }
0x6a: {  	_ =	shalt  }
0x6b: {  	_ =	shalt  }
0x6c: {  	_ =	shalt  }
0x6d: {  	_ =	shalt  }
0x6e: {  	_ =	shalt  }
0x6f: {  	_ =	shalt  }
0x70: {  	_ =	shalt  }
0x71: {  	_ =	shalt  }
0x72: {  	_ =	shalt  }
0x73: {  	_ =	shalt  }
0x74: {  	_ =	shalt  }
0x75: {  	_ =	shalt  }
0x76: {  	_ =	shalt  }
0x77: {  	_ =	shalt  }
0x78: {  	_ =	shalt  }
0x79: {  	_ =	shalt  }
0x7a: {  	_ =	shalt  }
0x7b: {  	_ =	shalt  }
0x7c: {  	_ =	shalt  }
0x7d: {  	_ =	shalt  }
0x7e: {  	_ =	shalt  }
0x7f: {  	_ =	shalt  }
0x80: {  	_ =	shalt  }
0x81: {  	_ =	shalt  }
0x82: {  	_ =	shalt  }
0x83: {  	_ =	shalt  }
0x84: {  	_ =	shalt  }
0x85: {  	_ =	shalt  }
0x86: {  	_ =	shalt  }
0x87: {  	_ =	shalt  }
.Lfunc_end0:
.L_simem_size_0:
called_computation.2_lowered:
.L_overlay_start_0:
0x88: {  	s2 =	sld [smem:$0x3FD9]  }
0x89: {  	s3 =	sld [smem:$0x3FFE];
	_ =	sdelay $0x1  }
0x8a: {  	s1 =	srdreg.scid  }
0x8b: {  	s0 =	sand.u32 $0x1, s1  }
0x8c: {  	s17 =	sshll.u32 s0, $0xA;
	s2 =	sadd.s32 s3, s2  }
0x8d: {  	s2 =	sadd.s32 s2, s17  }
0x8e: {  	[smem:$0x3FC2] =	sst s2  }
0x8f: {  	_ = 	snop  }
0x90: {  	s2 =	sld [smem:$0x3FD0];
	(tm) =	ssettm $0x1  }
0x91: {  	s18 =	sld [smem:$0x3FFB];
	_ =	sdelay $0x3  }
0x92: {  	_ =	strace s18  }
0x93: {  	s3 =	sld [smem:$0x3FFC];
	_ =	sdelay $0x3  }
0x94: {  	_ =	strace s3  }
0x95: {  	s3 =	sld [smem:$0x3FFD];
	_ =	sdelay $0x3  }
0x96: {  	_ =	strace s3  }
0x97: {  	_ =	strace $0x8FFFFFFF  }
0x98: {  	s19 =	sld [smem:$0x3FDB];
	_ =	sdelay $0x1  }
0x99: {  	s4 =	simm.s32 $_scs_section_size  }
0x9a: {  	s5 =	simm.s32 $_size__tile_overlayer_lowered;
	s6 =	simm.s32 $_tile_overlayer_lowered  }
0x9b: {  	s22 =	simm.s32 $0x1BFF;
	s21 =	sshll.u32 s6, $0x1;
	s3 =	sadd.s32 s4, s19  }
0x9c: {  	s7 =	simm.s32 $0x0;
	s20 =	sshll.u32 s5, $0x1;
	s5 =	sadd.s32 s21, s3  }
0x9d: {  	[timem:s7], [sflag:s22] =	dma.local [hbm:s5], s20  }
0x9e: {  	_ =	swait.ge [sflag:s22], s20  }
0x9f: {  	s4 =	ssub.s32 $0x0, s20;
	[sflag:s22] =	ssyncset.done $0x0  }
0xa0: {  	[sflag:s22] =	ssyncadd.s32 s4;
	_ =	sdelay $0x1  }
0xa1: {  	s23 =	simm.s32 $0x1B8B  }
0xa2: {  	_ =	swait.ge [sflag:s23], $0x1  }
0xa3: {  	[sflag:s23] =	ssyncset.done $0x0  }
0xa4: {  	s25 =	simm.s32 $0x1B8E;
	s24 =	sld [smem:$0x3FFE];
	[sflag:s23] =	ssyncadd.s32 $0xFFFFFFFF  }
0xa5: {  	s26 =	simm.s32 $execute0_lowered;
	[smem:$0x3FD2] =	sst s25  }
0xa6: {  	s5 =	sshll.u32 s26, $0x1;
	_ =	strace $0x8000004C;
	[dreg:$0x1] =	wrdreg $0xFFFFFFFF  }
0xa7: {  	s28 =	simm.s32 $_size_execute0_lowered;
	s3 =	sadd.s32 s3, s5;
	[dreg:$0x0] =	wrdreg $0x0  }
0xa8: {  	s5 =	sshll.u32 s28, $0x1;
	[dreg:$0x2] =	wrdreg s3  }
0xa9: {  	[dreg:$0x3] =	wrdreg s5  }
0xaa: {  	[dreg:$0x4] =	wrdreg $0xC0  }
0xab: {  	_ =	task [dreg:s7], $0x5FFFF  }
0xac: {  	[dreg:$0x1] =	wrdreg $0xFFFFFFFF  }
0xad: {  	[dreg:$0x0] =	wrdreg $0x60  }
0xae: {  	[dreg:$0x2] =	wrdreg s2  }
0xaf: {  	[dreg:$0x3] =	wrdreg s24  }
0xb0: {  	[dreg:$0x4] =	wrdreg $0x90000  }
0xb1: {  	[dreg:$0x5] =	wrdreg $0x130000  }
0xb2: {  	[dreg:$0x6] =	wrdreg $0x9  }
0xb3: {  	_ =	task.clear_ibuf [dreg:s7], $0x7FFFF;
	_ =	strace $0x9000004C  }
0xb4: {  	s29 =	simm.s32 $0x9;
	_ =	strace $0x8000004E  }
0xb5: {  	_ =	swait.ge [sflag:s29], $0x1  }
0xb6: {  	[sflag:s29] =	ssyncadd.s32 $0xFFFFFFFF  }
0xb7: {  	_ =	strace $0x9000004E  }
0xb8: {  	_ =	sfence  }
0xb9: {  	s30 =	sld [smem:$0x0];
	_ =	sdelay $0x2  }
0xba: {  	s31 =	sshll.u32 s1, $0xD;
	s1 =	sshrl.u32 s1, $0x2  }
0xbb: {  	s3 =	sand.u32 $0x4000, s31;
	s1 =	sadd.s32 s1, s30  }
0xbc: {  	s0 =	sor.u32 s3, s0;
	s1 =	sshll.u32 s1, $0x11  }
0xbd: {  	s0 =	sor.u32 s1, s0  }
0xbe: {  	s0 =	sadd.s32 $0x8F2B, s0  }
0xbf: {  	[sflag:s0] =	ssyncadd.remote.s32 $0x1  }
0xc0: {  	_ =	sfence.sel $0xFFFF  }
0xc1: {  	[dreg:$0x0] =	wrdreg $0xFFFFFFFF;
	(pc) =	sbr.abs _section_cstart, $3  }
0xc2: {  	[dreg:$0x1] =	wrdreg $0xFFFFFFFF  }
0xc3: {  	_ =	task.clear_ibuf [dreg:s7], $0x2FFFF;
	_ =	strace $0x9FFFFFFF  }
0xc4: {  	(tm) =	ssettm $0x7FFFFFFF  }
0xc5: {  	_ =	shalt  }
tec
execute0_lowered:
.L_overlay_start_1:
0x0: {  	(tag) =	ssettag $0x1  }
0x1: {  	s7 =	rddreg [dreg:$0x0]  }
0x2: {  	s6 =	rddreg [dreg:$0x1]  }
0x3: {  	s2 =	rddreg [dreg:$0x2]  }
0x4: {  	s0 =	srdreg.scid;
	s3 =	rddreg [dreg:$0x3]  }
0x5: {  	s4 =	simm.s32 $0x0;
	s14 =	simm.s32 $0x80;
	s15 =	simm.s32 $0x5000  }
0x6: {  	s16 =	simm.s32 $0x7000;
	s17 =	simm.s32 $0x1;
	s18 =	simm.s32 $0x2  }
0x7: {  	s19 =	simm.s32 $0x3;
	s20 =	simm.s32 $0x4;
	s21 =	simm.s32 $0x4F00  }
0x8: {  	s22 =	simm.s32 $0x4F80;
	s5 =	sand.u32 $0x1, s0;
	s0 =	stileid.u32  }
0x9: {  	s24 =	simm.s32 $0x0;
	[smem:$0x7FF] =	sst s4;
	s9 =	smul.u32 $0x9C40, s0  }
0xa: {  	s1 =	sshll.u32 s5, $0x4;
	s10 =	smul.u32 $0x9C400, s5;
	s11 =	ssub.s32 $0x2, s5  }
0xb: {  	s12 =	smul.u32 $0x28000, s0;
	s5 =	sadd.s32 $0xB800, s6;
	s1 =	sor.u32 s0, s1  }
0xc: {  	s31 =	sshll.u32 s0, $0x6;
	s13 =	sshrl.u32 s11, $0x1;
	s8 =	smul.u32 $0x500, s1  }
0xd: {  	s1 =	rddreg [dreg:$0x4];
	_ =	strace $0x8000004D;
	s10 =	sadd.s32 s9, s10  }
0xe: {  	s11 =	ssub.s32 s11, s13;
	s12 =	sshrl.u32 s12, $0x2;
	s29 =	sshrl.u32 s9, $0x3  }
0xf: {  	s30 =	sadd.s32 s9, s3;
	s23 =	sadd.s32 s9, s2;
	s10 =	sshrl.u32 s10, $0x3  }
0x10: {  	s12 =	sadd.s32 s12, s2;
	s7 =	sadd.s32 s7, s29;
	s9 =	smax.u32 s11, $0x1  }
0x11: {  	s11 =	sor.u32 $0x1C05, s31;
	s13 =	sshrl.u32 s30, $0x3;
	s23 =	sshrl.u32 s23, $0x3  }
0x12: {  	s8 =	sadd.s32 s8, s6;
	s10 =	sadd.s32 s10, s6;
	s12 =	sshrl.u32 s12, $0x3  }
0x13: {  	s6 =	sadd.s32 $0x1800, s8;
	s8 =	sadd.s32 $0xCC00, s10;
	s10 =	simm.s32 $0x5  }
.LBB2_1:
0x14: {  	[tilespmem:s4], [sflag:$0x5] =	stream.linear.gather [hbm4b:s6+s4], $0x2800, $0x38;
	[tilespmem:$0x1CC40] =	vst v63  }
0x15: {  	_ =	swait.ge [sflag:s10], $0x2800  }
0x16: {  	[sflag:s10] =	ssyncset.done $0x0  }
0x17: {  	[sflag:s10] =	ssyncadd.s32 $0xFFFFD800  }
0x18: {  	[spmem:s12], [sflag:s11] =	dma.local [hbm:s5], $0x1400  }
0x19: {  	_ =	swait.ge [sflag:s10], $0x1400  }
0x1a: {  	[sflag:s10] =	ssyncset.done $0x0  }
0x1b: {  	[sflag:s10] =	ssyncadd.s32 $0xFFFFEC00  }
0x1c: {  	[spmem:s13], [sflag:s11] =	dma.local [hbm:s7], $0x1388  }
0x1d: {  	_ =	swait.ge [sflag:s10], $0x1388  }
0x1e: {  	[sflag:s10] =	ssyncset.done $0x0  }
0x1f: {  	s25 =	simm.s32 $0x0;
	[sflag:s10] =	ssyncadd.s32 $0xFFFFEC78  }
0x20: {  	v0 =	vld [tilespmem:s25+$0x0]  }
0x21: {  	v6 =	vld [tilespmem:s25+$0x10]  }
0x22: {  	v5 =	vld [tilespmem:s25+$0x20]  }
0x23: {  	v4 =	vld [tilespmem:s25+$0x30]  }
0x24: {  	v2 =	vld [tilespmem:s25+$0x40]  }
0x25: {  	v3 =	vld [tilespmem:s25+$0x50];
	v1 =	vand.u32 $0x3FFF, v0  }
0x26: {  	s26 =	simm.s32 $0x200;
	v0 =	vshrl.u32 v0, $0xE;
	v7 =	vand.u32 $0x3FFF, v6;
	[tilespmem:s25+$0x0] =	vst v1;
	v1 =	vshrl.u32 v6, $0xE;
	v6 =	vld [tilespmem:s25+$0x60]  }
.LBB2_2:
0x27: {  	p0 =	sne.s32 s26, $0x9E00;
	[tilespmem:s25+$0x10] =	vst v7;
	v7 =	vshrl.u32 v5, $0xE;
	v5 =	vand.u32 $0x3FFF, v5;
	v8 =	vld [tilespmem:s25+$0x70]  }
0x28: {  	[tilespmem:s25+$0x20] =	vst v5;
	v5 =	vshrl.u32 v4, $0xE;
	v4 =	vand.u32 $0x3FFF, v4  }
0x29: {  	[tilespmem:s25+$0x30] =	vst v4;
	v4 =	vshrl.u32 v2, $0xE;
	v2 =	vand.u32 $0x3FFF, v2  }
0x2a: {  	[tilespmem:s25+$0x40] =	vst v2;
	v2 =	vshrl.u32 v3, $0xE;
	v3 =	vand.u32 $0x3FFF, v3  }
0x2b: {  	[tilespmem:s25+$0x50] =	vst v3;
	v3 =	vshrl.u32 v6, $0xE;
	v6 =	vand.u32 $0x3FFF, v6  }
0x2c: {  	[tilespmem:s25+$0x60] =	vst v6;
	v6 =	vshrl.u32 v8, $0xE;
	v8 =	vand.u32 $0x3FFF, v8  }
0x2d: {  	[tilespmem:s25+$0x70] =	vst v8  }
0x2e: {  	[tilespmem:s25+$0x2800] =	vst v0  }
0x2f: {  	s28 =	sshra.s32 s26, $0x2;
	[tilespmem:s25+$0x2810] =	vst v1  }
0x30: {  	v1 =	vld [tilespmem:s28+$0x0];
	[tilespmem:s25+$0x2820] =	vst v7  }
0x31: {  	v7 =	vld [tilespmem:s28+$0x10];
	[tilespmem:s25+$0x2830] =	vst v5  }
.Ltmp0:
0x32: {  	v5 =	vld [tilespmem:s28+$0x20];
	[tilespmem:s25+$0x2840] =	vst v4;
	(pc) =	sbr.rel @p0 .LBB2_2-.Ltmp0, $4  }
0x33: {  	v4 =	vld [tilespmem:s28+$0x30];
	[tilespmem:s25+$0x2850] =	vst v2  }
0x34: {  	v2 =	vld [tilespmem:s28+$0x40];
	[tilespmem:s25+$0x2860] =	vst v3  }
0x35: {  	v0 =	vshrl.u32 v1, $0xE;
	v1 =	vand.u32 $0x3FFF, v1;
	v3 =	vld [tilespmem:s28+$0x50];
	[tilespmem:s25+$0x2870] =	vst v6;
	s25 =	smov.u32 s28  }
0x36: {  	s26 =	sadd.s32 $0x200, s26;
	[tilespmem:s25+$0x0] =	vst v1;
	v1 =	vshrl.u32 v7, $0xE;
	v7 =	vand.u32 $0x3FFF, v7;
	v6 =	vld [tilespmem:s25+$0x60]  }
0x37: {  	[tilespmem:s25+$0x10] =	vst v7  }
0x38: {  	[tilespmem:s25+$0x2800] =	vst v0  }
0x39: {  	v52 =	vand.u32 $0x3FFF, v5;
	[tilespmem:s25+$0x2810] =	vst v1  }
0x3a: {  	v58 =	vshrl.u32 v5, $0xE;
	[tilespmem:s25+$0x20] =	vst v52  }
0x3b: {  	v53 =	vand.u32 $0x3FFF, v4;
	[tilespmem:s25+$0x2820] =	vst v58  }
0x3c: {  	v59 =	vshrl.u32 v4, $0xE;
	[tilespmem:s25+$0x30] =	vst v53  }
0x3d: {  	v54 =	vand.u32 $0x3FFF, v2;
	[tilespmem:s25+$0x2830] =	vst v59  }
0x3e: {  	v8 =	vld [tilespmem:s25+$0x70];
	v60 =	vshrl.u32 v2, $0xE;
	[tilespmem:s25+$0x40] =	vst v54  }
0x3f: {  	v55 =	vand.u32 $0x3FFF, v3;
	[tilespmem:s25+$0x2840] =	vst v60  }
0x40: {  	v61 =	vshrl.u32 v3, $0xE;
	[tilespmem:s25+$0x50] =	vst v55  }
0x41: {  	v56 =	vand.u32 $0x3FFF, v6;
	[tilespmem:s25+$0x2850] =	vst v61  }
0x42: {  	v62 =	vshrl.u32 v6, $0xE;
	[tilespmem:s25+$0x60] =	vst v56  }
0x43: {  	v57 =	vand.u32 $0x3FFF, v8;
	[tilespmem:s25+$0x2860] =	vst v62  }
0x44: {  	v63 =	vshrl.u32 v8, $0xE;
	[tilespmem:s25+$0x70] =	vst v57  }
0x45: {  	[tilespmem:s25+$0x2870] =	vst v63  }
0x46: {  	s28 =	simm.s32 $0x0;
	[bflag:$0x0] =	sbarrier.arrive $0xFFFF  }
0x47: {  	[tilespmem:s15], [sflag:$0x1] =	stream.indirect.gather [spmem:s3], $0x40, s28, s14, $0xb8;
	[tilespmem:$0x1CC40] =	vst v63  }
0x48: {  	_ = 	snop  }
0x49: {  	[tilespmem:s16], [sflag:$0x2] =	stream.indirect.gather [spmem:s3], $0x40, s14, s14, $0xb8;
	[tilespmem:$0x1CC40] =	vst v63  }
0x4a: {  	_ =	swait.ge [sflag:s17], $0x2000  }
0x4b: {  	[sflag:s17] =	ssyncset.done $0x0  }
0x4c: {  	s29 =	simm.s32 $0x2800;
	[sflag:s17] =	ssyncadd.s32 $0xFFFFE000  }
0x4d: {  	[spmem:s2] =	stream.indirect.scatter.add.f32 [tilespmem:s15], [sflag:$0x3], $0x40, s29, s14, $0xb8;
	[tilespmem:$0x1CC40] =	vst v63  }
0x4e: {  	_ =	swait.ge [sflag:s18], $0x2000  }
0x4f: {  	[sflag:s18] =	ssyncset.done $0x0  }
0x50: {  	s30 =	simm.s32 $0x2880;
	[sflag:s18] =	ssyncadd.s32 $0xFFFFE000  }
0x51: {  	[spmem:s2] =	stream.indirect.scatter.add.f32 [tilespmem:s16], [sflag:$0x4], $0x40, s30, s14, $0xb8;
	[tilespmem:$0x1CC40] =	vst v63  }
0x52: {  	_ =	swait.ge [sflag:s19], $0x2000  }
0x53: {  	[sflag:s19] =	ssyncset.done $0x0  }
0x54: {  	s31 =	simm.s32 $0x100;
	[sflag:s19] =	ssyncadd.s32 $0xFFFFE000  }
0x55: {  	[tilespmem:s15], [sflag:$0x1] =	stream.indirect.gather [spmem:s3], $0x40, s31, s14, $0xb8;
	[tilespmem:$0x1CC40] =	vst v63  }
0x56: {  	_ =	swait.ge [sflag:s20], $0x2000  }
0x57: {  	[sflag:s20] =	ssyncset.done $0x0  }
0x58: {  	s26 =	simm.s32 $0x180;
	s25 =	simm.s32 $0x400;
	[sflag:s20] =	ssyncadd.s32 $0xFFFFE000  }
.LBB2_4:
0x59: {  	[tilespmem:s16], [sflag:$0x2] =	stream.indirect.gather [spmem:s3], $0x40, s26, s14, $0xb8;
	[tilespmem:$0x1CC40] =	vst v63  }
0x5a: {  	s26 =	smov.u32 s25  }
0x5b: {  	p0 =	sne.s32 s25, $0x9800;
	s25 =	sadd.s32 $0x400, s25;
	_ =	swait.ge [sflag:s17], $0x2000  }
0x5c: {  	s26 =	sshra.s32 s26, $0x2;
	[sflag:s17] =	ssyncset.done $0x0  }
0x5d: {  	s28 =	sadd.s32 $0x2800, s26;
	[sflag:s17] =	ssyncadd.s32 $0xFFFFE000  }
0x5e: {  	[spmem:s2] =	stream.indirect.scatter.add.f32 [tilespmem:s15], [sflag:$0x3], $0x40, s28, s14, $0xb8;
	[tilespmem:$0x1CC40] =	vst v63  }
0x5f: {  	_ =	swait.ge [sflag:s18], $0x2000  }
0x60: {  	[sflag:s18] =	ssyncset.done $0x0  }
0x61: {  	s28 =	sadd.s32 $0x2880, s26;
	[sflag:s18] =	ssyncadd.s32 $0xFFFFE000  }
0x62: {  	[spmem:s2] =	stream.indirect.scatter.add.f32 [tilespmem:s16], [sflag:$0x4], $0x40, s28, s14, $0xb8;
	[tilespmem:$0x1CC40] =	vst v63  }
0x63: {  	_ =	swait.ge [sflag:s19], $0x2000  }
0x64: {  	[sflag:s19] =	ssyncset.done $0x0  }
.Ltmp1:
0x65: {  	s28 =	sadd.s32 $0x100, s26;
	[sflag:s19] =	ssyncadd.s32 $0xFFFFE000;
	(pc) =	sbr.rel @p0 .LBB2_4-.Ltmp1, $4  }
0x66: {  	[tilespmem:s15], [sflag:$0x1] =	stream.indirect.gather [spmem:s3], $0x40, s28, s14, $0xb8;
	[tilespmem:$0x1CC40] =	vst v63  }
0x67: {  	_ =	swait.ge [sflag:s20], $0x2000  }
0x68: {  	[sflag:s20] =	ssyncset.done $0x0  }
0x69: {  	s26 =	sadd.s32 $0x180, s26;
	[sflag:s20] =	ssyncadd.s32 $0xFFFFE000  }
0x6a: {  	[tilespmem:s16], [sflag:$0x2] =	stream.indirect.gather [spmem:s3], $0x40, s26, s14, $0xb8;
	[tilespmem:$0x1CC40] =	vst v63  }
0x6b: {  	_ =	swait.ge [sflag:s17], $0x2000  }
0x6c: {  	[sflag:s17] =	ssyncset.done $0x0  }
0x6d: {  	[sflag:s17] =	ssyncadd.s32 $0xFFFFE000  }
0x6e: {  	[spmem:s2] =	stream.indirect.scatter.add.f32 [tilespmem:s15], [sflag:$0x3], $0x40, s21, s14, $0xb8;
	[tilespmem:$0x1CC40] =	vst v63  }
0x6f: {  	_ =	swait.ge [sflag:s18], $0x2000  }
0x70: {  	[sflag:s18] =	ssyncset.done $0x0  }
0x71: {  	[sflag:s18] =	ssyncadd.s32 $0xFFFFE000  }
0x72: {  	[spmem:s2] =	stream.indirect.scatter.add.f32 [tilespmem:s16], [sflag:$0x4], $0x40, s22, s14, $0xb8;
	[tilespmem:$0x1CC40] =	vst v63  }
0x73: {  	_ =	swait.ge [sflag:s19], $0x2000  }
0x74: {  	[sflag:s19] =	ssyncset.done $0x0  }
0x75: {  	[sflag:s19] =	ssyncadd.s32 $0xFFFFE000  }
0x76: {  	_ =	swait.ge [sflag:s20], $0x2000  }
0x77: {  	s24 =	sadd.s32 $0x1, s24;
	[sflag:s20] =	ssyncset.done $0x0  }
0x78: {  	p0 =	sne.s32 s24, s9;
	[sflag:s20] =	ssyncadd.s32 $0xFFFFE000  }
.Ltmp2:
0x79: {  	[bflag:$0x0] =	sbarrier.arrive $0xFFFF;
	(pc) =	sbr.rel @p0 .LBB2_1-.Ltmp2, $4  }
0x7a: {  	[hbm:s8], [sflag:s11] =	dma.local [spmem:s23], $0x1388  }
0x7b: {  	_ =	swait.ge [sflag:s10], $0x1388  }
0x7c: {  	[sflag:s10] =	ssyncset.done $0x0  }
0x7d: {  	[sflag:s10] =	ssyncadd.s32 $0xFFFFEC78  }
0x7e: {  	_ =	sfence.sel $0x180000  }
0x7f: {  	[bflag:$0x0] =	sbarrier.arrive $0xFFFF  }
0x80: {  	p0 =	sne.s32 s0, $0x0;
	_ =	strace $0x9000004D  }
0x81: {  	s0 =	sadd.s32 @!p0 $0x100000, s1;
	[bflag:$0x2] =	sbarrier.arrive $0xFFFF  }
0x82: {  	[sflag:s0] =	ssyncadd.tile.s32 @!p0 $0x1;
	_ =	shalt  }
.Lfunc_end2:
_tile_overlayer_lowered:
.L_overlay_start_2:
0x83: {  	(tag) =	ssettag $0x2  }
0x84: {  	s0 =	rddreg [dreg:$0x0];
	s2 =	stileid.u32  }
0x85: {  	s1 =	rddreg [dreg:$0x1];
	p0 =	sne.s32 s2, $0x0  }
0x86: {  	s3 =	rddreg [dreg:$0x2];
	[bflag:$0x3] =	sbarrier.arrive $0xFFFF;
	s2 =	simm.s32 @!p0 $0x1C05  }
0x87: {  	[timem:s3], [sflag:s2] =	dma.local @!p0 [hbm:s0], s1  }
0x88: {  	s0 =	simm.s32 @!p0 $0x5  }
0x89: {  	_ =	swait.ge @!p0 [sflag:s0], s1  }
0x8a: {  	s1 =	ssub.s32 @!p0 $0x0, s1;
	[sflag:s0] =	ssyncset.done @!p0 $0x0  }
0x8b: {  	[sflag:s0] =	ssyncadd.s32 @!p0 s1  }
0x8c: {  	[bflag:$0x3] =	sbarrier.arrive $0xFFFF  }
0x8d: {  	_ =	shalt  }

// kernel: kernel.9.cloned.1.call-start
scs
__scs_entry_jumppad:
0x0: {  	(pc) =	sbr.rel $0x88, $3  }
0x1: {  	(tag) =	ssettag $0x0;
	lr =	simm.s32 $0x1  }
0x2: {  	[smem:$0x3F9B] =	sst lr;
	_ =	strace $0xD0000000  }
0x3: {  	_ = 	snop  }
0x4: {  	_ = 	snop  }
0x5: {  	_ = 	snop  }
0x6: {  	_ = 	snop  }
0x7: {  	_ = 	snop  }
__scs_overlays_trampoline_lowered:
0x8: {  	[smem:$0x3FAA] =	sst s0  }
0x9: {  	[smem:$0x3FAB] =	sst s1  }
0xa: {  	[smem:$0x3FAC] =	sst s2  }
0xb: {  	[smem:$0x3FAD] =	sst s3  }
0xc: {  	[smem:$0x3FAE] =	sst s4  }
0xd: {  	[smem:$0x3FAF] =	sst s5  }
0xe: {  	[smem:$0x3FB0] =	sst s6  }
0xf: {  	[smem:$0x3FB1] =	sst s7  }
0x10: {  	[smem:$0x3FB2] =	sst s8  }
0x11: {  	[smem:$0x3FB3] =	sst s9;
	s0 =	simm.s32 @!p0 $0x0  }
0x12: {  	s1 =	sld [smem:$0x3F99];
	s0 =	simm.s32 @p0 $0x1  }
0x13: {  	[smem:$0x3FB4] =	sst s0;
	s0 =	simm.s32 @!p1 $0x0  }
0x14: {  	s2 =	sld [smem:$0x3F98];
	s0 =	simm.s32 @p1 $0x1  }
0x15: {  	[smem:$0x3FB5] =	sst s0;
	s0 =	simm.s32 @!p2 $0x0  }
0x16: {  	s3 =	sld [smem:$0x3FDB];
	s0 =	simm.s32 @p2 $0x1  }
0x17: {  	s4 =	simm.s32 $0x1BF5;
	[smem:$0x3FB7] =	sst s0  }
0x18: {  	s0 =	sld [smem:$0x3F9A];
	_ =	swait.ge [sflag:s4], $0x0  }
0x19: {  	s7 =	sld [smem:$0x3F9B]  }
0x1a: {  	s8 =	sadd.s32 $0xFFFFE003, lr  }
0x1b: {  	s9 =	sadd.s32 $0xFFFFFEF7, lr;
	s5 =	simm.s32 $0xFFFFFFFF;
	p2 =	slt.u32 s8, $0xFFFFF086  }
0x1c: {  	p1 =	slt.u32 s9, $0xF7A;
	s5 =	simm.s32 @!p2 $0x0  }
0x1d: {  	s5 =	simm.s32 @p1 $0x1;
	p0 =	seq.s32 s7, s2  }
0x1e: {  	s7 =	smul.u32 @!p0 $0xF7A, s2;
	p2 =	seq.s32 @!p0 s5, $0x0  }
0x1f: {  	s9 =	smul.u32 $0xF7A, s1;
	s8 =	simm.s32 @!p0 $0x1BF5;
	p2 =	por !p2, p0  }
0x20: {  	[sflag:s8] =	ssyncset.s32 @!p0 $0xFFFFF086;
	s6 =	sadd.s32 @!p0 s3, s7;
	s7 =	simm.s32 @!p0 $0x108  }
0x21: {  	s3 =	sadd.s32 s3, s9;
	s6 =	sadd.s32 @!p0 $0x88, s6;
	s7 =	simm.s32 @p2 $0x1082  }
0x22: {  	[simem:s7], [sflag:s8] =	dma.local @!p0 [hbm:s6], $0xF7A  }
0x23: {  	s9 =	sor.u32 $0xD0000000, s2;
	s6 =	simm.s32 $0x108;
	_ =	swait.ge @!p0 [sflag:s8], $0x0  }
0x24: {  	s3 =	sadd.s32 $0x88, s3;
	s6 =	simm.s32 @!p1 $0x1082;
	[sflag:s4] =	ssyncset.s32 $0xFFFFF086  }
0x25: {  	[simem:s6], [sflag:s4] =	dma.local [hbm:s3], $0xF7A  }
0x26: {  	[smem:$0x3F9B] =	sst s1;
	(tag) =	ssettag s2;
	_ =	strace s9  }
0x27: {  	s1 =	sld [smem:$0x3FAB]  }
0x28: {  	s2 =	sld [smem:$0x3FAC]  }
0x29: {  	s4 =	sld [smem:$0x3FAE]  }
0x2a: {  	p0 =	seq.s32 s5, $0x0;
	s5 =	sld [smem:$0x3FAF]  }
0x2b: {  	s6 =	sld [smem:$0x3FB0]  }
0x2c: {  	s7 =	sld [smem:$0x3FB1]  }
0x2d: {  	s3 =	simm.s32 $0x108;
	s8 =	sld [smem:$0x3FB2]  }
0x2e: {  	s3 =	simm.s32 @!p0 $0x1082;
	s9 =	sld [smem:$0x3FB3]  }
0x2f: {  	lr =	sadd.s32 s0, s3;
	s0 =	sld [smem:$0x3FAA]  }
0x30: {  	s3 =	sld [smem:$0x3FAD]  }
0x31: {  	[smem:$0x3FB6] =	sst s10  }
0x32: {  	s10 =	sld [smem:$0x3FB4];
	_ =	sdelay $0x3  }
0x33: {  	p0 =	seq.s32 s10, $0x1;
	s10 =	sld [smem:$0x3FB6];
	_ =	sdelay $0x3  }
0x34: {  	[smem:$0x3FB6] =	sst s10  }
0x35: {  	s10 =	sld [smem:$0x3FB5];
	_ =	sdelay $0x3  }
0x36: {  	p1 =	seq.s32 s10, $0x1;
	s10 =	sld [smem:$0x3FB6];
	_ =	sdelay $0x3  }
0x37: {  	[smem:$0x3FB6] =	sst s10  }
0x38: {  	s10 =	sld [smem:$0x3FB7]  }
0x39: {  	_ = 	snop;
	(pc) =	sbr.ind lr, $3  }
0x3a: {  	_ = 	snop  }
0x3b: {  	_ = 	snop  }
0x3c: {  	p2 =	seq.s32 s10, $0x1;
	s10 =	sld [smem:$0x3FB6]  }
0x3d: {  	_ =	shalt  }
0x3e: {  	_ =	shalt  }
0x3f: {  	_ =	shalt  }
0x40: {  	_ =	shalt  }
0x41: {  	_ =	shalt  }
0x42: {  	_ =	shalt  }
0x43: {  	_ =	shalt  }
0x44: {  	_ =	shalt  }
0x45: {  	_ =	shalt  }
0x46: {  	_ =	shalt  }
0x47: {  	_ =	shalt  }
0x48: {  	_ =	shalt  }
0x49: {  	_ =	shalt  }
0x4a: {  	_ =	shalt  }
0x4b: {  	_ =	shalt  }
0x4c: {  	_ =	shalt  }
0x4d: {  	_ =	shalt  }
0x4e: {  	_ =	shalt  }
0x4f: {  	_ =	shalt  }
0x50: {  	_ =	shalt  }
0x51: {  	_ =	shalt  }
0x52: {  	_ =	shalt  }
0x53: {  	_ =	shalt  }
0x54: {  	_ =	shalt  }
0x55: {  	_ =	shalt  }
0x56: {  	_ =	shalt  }
0x57: {  	_ =	shalt  }
0x58: {  	_ =	shalt  }
0x59: {  	_ =	shalt  }
0x5a: {  	_ =	shalt  }
0x5b: {  	_ =	shalt  }
0x5c: {  	_ =	shalt  }
0x5d: {  	_ =	shalt  }
0x5e: {  	_ =	shalt  }
0x5f: {  	_ =	shalt  }
0x60: {  	_ =	shalt  }
0x61: {  	_ =	shalt  }
0x62: {  	_ =	shalt  }
0x63: {  	_ =	shalt  }
0x64: {  	_ =	shalt  }
0x65: {  	_ =	shalt  }
0x66: {  	_ =	shalt  }
0x67: {  	_ =	shalt  }
0x68: {  	_ =	shalt  }
0x69: {  	_ =	shalt  }
0x6a: {  	_ =	shalt  }
0x6b: {  	_ =	shalt  }
0x6c: {  	_ =	shalt  }
0x6d: {  	_ =	shalt  }
0x6e: {  	_ =	shalt  }
0x6f: {  	_ =	shalt  }
0x70: {  	_ =	shalt  }
0x71: {  	_ =	shalt  }
0x72: {  	_ =	shalt  }
0x73: {  	_ =	shalt  }
0x74: {  	_ =	shalt  }
0x75: {  	_ =	shalt  }
0x76: {  	_ =	shalt  }
0x77: {  	_ =	shalt  }
0x78: {  	_ =	shalt  }
0x79: {  	_ =	shalt  }
0x7a: {  	_ =	shalt  }
0x7b: {  	_ =	shalt  }
0x7c: {  	_ =	shalt  }
0x7d: {  	_ =	shalt  }
0x7e: {  	_ =	shalt  }
0x7f: {  	_ =	shalt  }
0x80: {  	_ =	shalt  }
0x81: {  	_ =	shalt  }
0x82: {  	_ =	shalt  }
0x83: {  	_ =	shalt  }
0x84: {  	_ =	shalt  }
0x85: {  	_ =	shalt  }
0x86: {  	_ =	shalt  }
0x87: {  	_ =	shalt  }
.Lfunc_end0:
.L_simem_size_0:
called_computation_lowered:
.L_overlay_start_0:
0x88: {  	s2 =	sld [smem:$0x3FD9]  }
0x89: {  	s3 =	sld [smem:$0x3FFE];
	_ =	sdelay $0x1  }
0x8a: {  	s1 =	srdreg.scid  }
0x8b: {  	s0 =	sand.u32 $0x1, s1  }
0x8c: {  	s17 =	sshll.u32 s0, $0xA;
	s2 =	sadd.s32 s3, s2  }
0x8d: {  	s2 =	sadd.s32 s2, s17  }
0x8e: {  	[smem:$0x3FC2] =	sst s2  }
0x8f: {  	_ = 	snop  }
0x90: {  	s2 =	sld [smem:$0x3FD0];
	(tm) =	ssettm $0x1  }
0x91: {  	s18 =	sld [smem:$0x3FFB];
	_ =	sdelay $0x3  }
0x92: {  	_ =	strace s18  }
0x93: {  	s3 =	sld [smem:$0x3FFC];
	_ =	sdelay $0x3  }
0x94: {  	_ =	strace s3  }
0x95: {  	s3 =	sld [smem:$0x3FFD];
	_ =	sdelay $0x3  }
0x96: {  	_ =	strace s3  }
0x97: {  	_ =	strace $0x8FFFFFFF  }
0x98: {  	s19 =	sld [smem:$0x3FDB];
	_ =	sdelay $0x1  }
0x99: {  	s4 =	simm.s32 $_scs_section_size  }
0x9a: {  	s5 =	simm.s32 $_size__tile_overlayer_lowered;
	s6 =	simm.s32 $_tile_overlayer_lowered  }
0x9b: {  	s22 =	simm.s32 $0x1BFF;
	s21 =	sshll.u32 s6, $0x1;
	s3 =	sadd.s32 s4, s19  }
0x9c: {  	s7 =	simm.s32 $0x0;
	s20 =	sshll.u32 s5, $0x1;
	s5 =	sadd.s32 s21, s3  }
0x9d: {  	[timem:s7], [sflag:s22] =	dma.local [hbm:s5], s20  }
0x9e: {  	_ =	swait.ge [sflag:s22], s20  }
0x9f: {  	s4 =	ssub.s32 $0x0, s20;
	[sflag:s22] =	ssyncset.done $0x0  }
0xa0: {  	[sflag:s22] =	ssyncadd.s32 s4;
	_ =	sdelay $0x1  }
0xa1: {  	s23 =	simm.s32 $0x1B8B  }
0xa2: {  	_ =	swait.ge [sflag:s23], $0x1  }
0xa3: {  	[sflag:s23] =	ssyncset.done $0x0  }
0xa4: {  	s25 =	simm.s32 $0x1B8E;
	s24 =	sld [smem:$0x3FFE];
	[sflag:s23] =	ssyncadd.s32 $0xFFFFFFFF  }
0xa5: {  	s26 =	simm.s32 $execute0_lowered;
	[smem:$0x3FD2] =	sst s25  }
0xa6: {  	s5 =	sshll.u32 s26, $0x1;
	_ =	strace $0x80000046;
	[dreg:$0x1] =	wrdreg $0xFFFFFFFF  }
0xa7: {  	s28 =	simm.s32 $_size_execute0_lowered;
	s3 =	sadd.s32 s3, s5;
	[dreg:$0x0] =	wrdreg $0x0  }
0xa8: {  	s5 =	sshll.u32 s28, $0x1;
	[dreg:$0x2] =	wrdreg s3  }
0xa9: {  	[dreg:$0x3] =	wrdreg s5  }
0xaa: {  	[dreg:$0x4] =	wrdreg $0xC0  }
0xab: {  	_ =	task [dreg:s7], $0x5FFFF  }
0xac: {  	[dreg:$0x1] =	wrdreg $0xFFFFFFFF  }
0xad: {  	[dreg:$0x0] =	wrdreg $0x60  }
0xae: {  	[dreg:$0x2] =	wrdreg s2  }
0xaf: {  	[dreg:$0x3] =	wrdreg s24  }
0xb0: {  	[dreg:$0x4] =	wrdreg $0x9  }
0xb1: {  	_ =	task.clear_ibuf [dreg:s7], $0x5FFFF;
	_ =	strace $0x90000046  }
0xb2: {  	s29 =	simm.s32 $0x9;
	_ =	strace $0x80000048  }
0xb3: {  	_ =	swait.ge [sflag:s29], $0x1  }
0xb4: {  	[sflag:s29] =	ssyncadd.s32 $0xFFFFFFFF  }
0xb5: {  	_ =	strace $0x90000048  }
0xb6: {  	_ =	sfence  }
0xb7: {  	s30 =	sld [smem:$0x0];
	_ =	sdelay $0x2  }
0xb8: {  	s31 =	sshll.u32 s1, $0xD;
	s1 =	sshrl.u32 s1, $0x2  }
0xb9: {  	s3 =	sand.u32 $0x4000, s31;
	s1 =	sadd.s32 s1, s30  }
0xba: {  	s0 =	sor.u32 s3, s0;
	s1 =	sshll.u32 s1, $0x11  }
0xbb: {  	s0 =	sor.u32 s1, s0  }
0xbc: {  	s0 =	sadd.s32 $0x8F2B, s0  }
0xbd: {  	[sflag:s0] =	ssyncadd.remote.s32 $0x1  }
0xbe: {  	_ =	sfence.sel $0xFFFF  }
0xbf: {  	[dreg:$0x0] =	wrdreg $0xFFFFFFFF;
	(pc) =	sbr.abs _section_cstart, $3  }
0xc0: {  	[dreg:$0x1] =	wrdreg $0xFFFFFFFF  }
0xc1: {  	_ =	task.clear_ibuf [dreg:s7], $0x2FFFF;
	_ =	strace $0x9FFFFFFF  }
0xc2: {  	(tm) =	ssettm $0x7FFFFFFF  }
0xc3: {  	_ =	shalt  }
tec
execute0_lowered:
.L_overlay_start_1:
0x0: {  	(tag) =	ssettag $0x1  }
0x1: {  	s0 =	srdreg.scid;
	s3 =	rddreg [dreg:$0x0]  }
0x2: {  	s5 =	rddreg [dreg:$0x1];
	s4 =	sand.u32 $0x1, s0  }
0x3: {  	s1 =	stileid.u32;
	s8 =	simm.s32 $0x0;
	s2 =	sshll.u32 s4, $0x4  }
0x4: {  	s4 =	ssub.s32 $0x2, s4;
	s6 =	sor.u32 s1, s2;
	s2 =	simm.s32 $0x0  }
0x5: {  	s7 =	sshrl.u32 s4, $0x1;
	s6 =	smul.u32 $0x500, s6;
	[smem:$0x7FF] =	sst s2  }
0x6: {  	s0 =	rddreg [dreg:$0x2];
	s7 =	ssub.s32 s4, s7;
	_ =	strace $0x80000047  }
0x7: {  	s5 =	sadd.s32 s6, s5;
	s3 =	sadd.s32 s3, s6;
	s6 =	simm.s32 $0x1  }
0x8: {  	v0 =	vimm.f32 $0.0e+00;
	v1 =	vimm.f32 $1.000000000e+00;
	s4 =	sadd.s32 $0xB800, s5;
	s5 =	smax.u32 s7, $0x1;
	s7 =	simm.s32 $0x2800  }
.LBB2_1:
0x9: {  	[tilespmem:s2], [sflag:$0x1] =	stream.linear.gather [hbm4b:s3+s2], $0x2800, $0x38;
	[tilespmem:$0x5000] =	vst v63  }
0xa: {  	_ =	swait.ge [sflag:s6], $0x2800  }
0xb: {  	[sflag:s6] =	ssyncset.done $0x0  }
0xc: {  	s9 =	simm.s32 $0x0;
	[sflag:s6] =	ssyncadd.s32 $0xFFFFD800  }
.LBB2_2:
0xd: {  	p0 =	sne.s32 s9, $0x9FC0  }
.Ltmp0:
0xe: {  	_ = 	snop;
	(pc) =	sbr.rel @p0 .LBB2_2-.Ltmp0, $3  }
0xf: {  	_ =	sdelay $0x1  }
0x10: {  	s10 =	sshra.s32 s9, $0x2  }
0x11: {  	s9 =	sadd.s32 $0x40, s9;
	[tilespmem:s10+$0x2800] =	vst v0  }
0x12: {  	s9 =	simm.s32 $0x0  }
.LBB2_4:
0x13: {  	s10 =	sshra.s32 s9, $0x2  }
0x14: {  	v2 =	vld [tilespmem:s10+$0x0];
	_ =	sdelay $0x7  }
0x15: {  	[tilespmem:v2+s7+$0x0] =	vst.idx.add.f32.msk $0xffff, v1  }
0x16: {  	v2 =	vld [tilespmem:s10+$0x10];
	_ =	sdelay $0x7  }
0x17: {  	[tilespmem:v2+s7+$0x0] =	vst.idx.add.f32.msk $0xffff, v1  }
0x18: {  	v2 =	vld [tilespmem:s10+$0x20];
	_ =	sdelay $0x7  }
0x19: {  	[tilespmem:v2+s7+$0x0] =	vst.idx.add.f32.msk $0xffff, v1  }
0x1a: {  	v2 =	vld [tilespmem:s10+$0x30];
	_ =	sdelay $0x7  }
0x1b: {  	[tilespmem:v2+s7+$0x0] =	vst.idx.add.f32.msk $0xffff, v1  }
0x1c: {  	v2 =	vld [tilespmem:s10+$0x40];
	_ =	sdelay $0x7  }
0x1d: {  	[tilespmem:v2+s7+$0x0] =	vst.idx.add.f32.msk $0xffff, v1  }
0x1e: {  	v2 =	vld [tilespmem:s10+$0x50];
	_ =	sdelay $0x7  }
0x1f: {  	[tilespmem:v2+s7+$0x0] =	vst.idx.add.f32.msk $0xffff, v1  }
0x20: {  	v2 =	vld [tilespmem:s10+$0x60];
	_ =	sdelay $0x7  }
0x21: {  	[tilespmem:v2+s7+$0x0] =	vst.idx.add.f32.msk $0xffff, v1  }
0x22: {  	v2 =	vld [tilespmem:s10+$0x70];
	_ =	sdelay $0x2  }
0x23: {  	p0 =	sne.s32 s9, $0x9E00  }
.Ltmp1:
0x24: {  	_ = 	snop;
	(pc) =	sbr.rel @p0 .LBB2_4-.Ltmp1, $2  }
0x25: {  	_ =	sdelay $0x2  }
0x26: {  	s9 =	sadd.s32 $0x200, s9;
	[tilespmem:v2+s7+$0x0] =	vst.idx.add.f32.msk $0xffff, v1  }
0x27: {  	s8 =	sadd.s32 $0x1, s8  }
0x28: {  	p0 =	sne.s32 s8, s5  }
.Ltmp2:
0x29: {  	_ = 	snop;
	(pc) =	sbr.rel @p0 .LBB2_1-.Ltmp2, $4  }
0x2a: {  	[hbm4b:s4+s2] =	stream.linear.scatter [tilespmem:s7], [sflag:$0x1], $0x2800, $0x38;
	[tilespmem:$0x5000] =	vst v63  }
0x2b: {  	_ =	swait.ge [sflag:s6], $0x2800  }
0x2c: {  	[sflag:s6] =	ssyncset.done $0x0  }
0x2d: {  	[sflag:s6] =	ssyncadd.s32 $0xFFFFD800  }
0x2e: {  	_ =	sfence.sel $0x180000  }
0x2f: {  	[bflag:$0x0] =	sbarrier.arrive $0xFFFF  }
0x30: {  	p0 =	sne.s32 s1, $0x0;
	_ =	strace $0x90000047  }
0x31: {  	s0 =	sadd.s32 @!p0 $0x100000, s0;
	[bflag:$0x2] =	sbarrier.arrive $0xFFFF  }
0x32: {  	[sflag:s0] =	ssyncadd.tile.s32 @!p0 $0x1;
	_ =	shalt  }
.Lfunc_end2:
_tile_overlayer_lowered:
.L_overlay_start_2:
0x33: {  	(tag) =	ssettag $0x2  }
0x34: {  	s0 =	rddreg [dreg:$0x0];
	s2 =	stileid.u32  }
0x35: {  	s1 =	rddreg [dreg:$0x1];
	p0 =	sne.s32 s2, $0x0  }
0x36: {  	s3 =	rddreg [dreg:$0x2];
	[bflag:$0x3] =	sbarrier.arrive $0xFFFF;
	s2 =	simm.s32 @!p0 $0x1C01  }
0x37: {  	[timem:s3], [sflag:s2] =	dma.local @!p0 [hbm:s0], s1  }
0x38: {  	s0 =	simm.s32 @!p0 $0x1  }
0x39: {  	_ =	swait.ge @!p0 [sflag:s0], s1  }
0x3a: {  	s1 =	ssub.s32 @!p0 $0x0, s1;
	[sflag:s0] =	ssyncset.done @!p0 $0x0  }
0x3b: {  	[sflag:s0] =	ssyncadd.s32 @!p0 s1  }
0x3c: {  	[bflag:$0x3] =	sbarrier.arrive $0xFFFF  }
0x3d: {  	_ =	shalt  }

</sc_bundles>
